<compile_context>
chip_gen: v7x
topology: tpu7x:2x2x1
jax: 0.10.2.dev20260603
libtpu: 0.0.44.dev20260713+nightly
codegen_flags: <defaults>
</compile_context>

<pallas_src>
import functools

import jax
import jax.numpy as jnp
from jax import lax
from jax.experimental import pallas as pl
from jax.experimental.pallas import tpu as pltpu
from jax.experimental.pallas import tpu_sc as plsc

N_NODES = 10000
N_EDGES = 320000
D_FEAT = 128
HIDDEN = 16
N_CLASS = 40
F2 = 48

NC = 2
NS = 16
NW = NC * NS
EW = N_EDGES // NW
K = 80
NCHUNK = EW // K
NP = 10240
RPT = NP // NS


def _sc_mesh():
    return plsc.VectorSubcoreMesh(
        core_axis_name="c", subcore_axis_name="s", num_cores=NC, num_subcores=NS
    )


def _zero_rows(ref, nrows, ncols):
    z16 = jnp.zeros((16,), jnp.float32)

    def body(i, c):
        for j in range(ncols // 16):
            ref[i, pl.ds(16 * j, 16)] = z16
        return c

    lax.fori_loop(0, nrows, body, 0)


def _make_deg():
    @functools.partial(
        pl.kernel,
        out_type=jax.ShapeDtypeStruct((NC, NP, 16), jnp.float32),
        mesh=_sc_mesh(),
        compiler_params=pltpu.CompilerParams(use_tc_tiling_on_sc=False),
        scratch_types=[
            pltpu.VMEM((NCHUNK, K), jnp.int32),
            pltpu.VMEM((K, 16), jnp.float32),
            pltpu.VMEM((RPT, 16), jnp.float32),
            pltpu.VMEM_SHARED((NP, 16), jnp.float32),
        ],
    )
    def deg_kernel(dst_hbm, out_hbm, dst_v, ones_v, zbuf, acc):
        cid = lax.axis_index("c")
        sid = lax.axis_index("s")
        wid = sid * NC + cid

        _zero_rows(zbuf, RPT, 16)
        one16 = jnp.ones((16,), jnp.float32)

        def fill_ones(i, c):
            ones_v[i, :] = one16
            return c

        lax.fori_loop(0, K, fill_ones, 0)
        pltpu.sync_copy(zbuf, acc.at[pl.ds(sid * RPT, RPT)])
        pltpu.sync_copy(dst_hbm.at[wid], dst_v)
        plsc.subcore_barrier()

        def chunk(i, c):
            pltpu.sync_copy(ones_v, acc.at[dst_v.at[i]], add=True)
            return c

        lax.fori_loop(0, NCHUNK, chunk, 0)
        plsc.subcore_barrier()
        pltpu.sync_copy(
            acc.at[pl.ds(sid * RPT, RPT)],
            out_hbm.at[cid, pl.ds(sid * RPT, RPT)],
        )

    return deg_kernel


def _make_agg(F):
    @functools.partial(
        pl.kernel,
        out_type=jax.ShapeDtypeStruct((NC, NP, F), jnp.float32),
        mesh=_sc_mesh(),
        compiler_params=pltpu.CompilerParams(use_tc_tiling_on_sc=False),
        scratch_types=[
            pltpu.VMEM((NCHUNK, K), jnp.int32),
            pltpu.VMEM((NCHUNK, K), jnp.int32),
            pltpu.VMEM((2, K, F), jnp.float32),
            pltpu.VMEM((RPT, F), jnp.float32),
            pltpu.VMEM_SHARED((NP, F), jnp.float32),
            pltpu.VMEM_SHARED((NP, F), jnp.float32),
            pltpu.SemaphoreType.DMA((2,)),
            pltpu.SemaphoreType.DMA((2,)),
        ],
    )
    def agg_kernel(
        y_hbm, src_hbm, dst_hbm, out_hbm, src_v, dst_v, buf, zbuf, acc, y_sp, gsem, ssem
    ):
        cid = lax.axis_index("c")
        sid = lax.axis_index("s")
        wid = sid * NC + cid

        yoff = jnp.minimum(sid * RPT, N_NODES - RPT)
        pltpu.sync_copy(
            y_hbm.at[pl.ds(yoff, RPT)], y_sp.at[pl.ds(yoff, RPT)]
        )
        _zero_rows(zbuf, RPT, F)
        pltpu.sync_copy(zbuf, acc.at[pl.ds(sid * RPT, RPT)])
        pltpu.sync_copy(src_hbm.at[wid], src_v)
        pltpu.sync_copy(dst_hbm.at[wid], dst_v)
        plsc.subcore_barrier()

        pltpu.async_copy(y_sp.at[src_v.at[0]], buf.at[0], gsem.at[0])

        def chunk(i, c):
            p = lax.rem(i, 2)
            pn = lax.rem(i + 1, 2)
            pltpu.make_async_copy(y_sp.at[src_v.at[i]], buf.at[p], gsem.at[p]).wait()

            @pl.when(i > 0)
            def _():
                pltpu.make_async_copy(
                    buf.at[pn], acc.at[dst_v.at[i - 1]], ssem.at[pn]
                ).wait()

            @pl.when(i < NCHUNK - 1)
            def _():
                pltpu.async_copy(y_sp.at[src_v.at[i + 1]], buf.at[pn], gsem.at[pn])

            pltpu.async_copy(buf.at[p], acc.at[dst_v.at[i]], ssem.at[p], add=True)
            return c

        lax.fori_loop(0, NCHUNK, chunk, 0)
        pf = (NCHUNK - 1) % 2
        pltpu.make_async_copy(
            buf.at[pf], acc.at[dst_v.at[NCHUNK - 1]], ssem.at[pf]
        ).wait()
        plsc.subcore_barrier()
        pltpu.sync_copy(
            acc.at[pl.ds(sid * RPT, RPT)],
            out_hbm.at[cid, pl.ds(sid * RPT, RPT)],
        )

    return agg_kernel


_R = 1000


def _tc1(x, W1, degp):
    def body(x_ref, w_ref, d_ref, y_ref, dinv_ref):
        xw = jnp.dot(x_ref[...], w_ref[...], preferred_element_type=jnp.float32)
        cnt = d_ref[0, :, 0:1] + d_ref[1, :, 0:1] + 1.0
        dinv = lax.rsqrt(cnt)
        y_ref[...] = xw * dinv
        dinv_ref[...] = jnp.broadcast_to(dinv, (_R, HIDDEN))

    return pl.pallas_call(
        body,
        grid=(N_NODES // _R,),
        in_specs=[
            pl.BlockSpec((_R, D_FEAT), lambda i: (i, 0)),
            pl.BlockSpec((D_FEAT, HIDDEN), lambda i: (0, 0)),
            pl.BlockSpec((NC, _R, 16), lambda i: (0, i, 0)),
        ],
        out_specs=[
            pl.BlockSpec((_R, HIDDEN), lambda i: (i, 0)),
            pl.BlockSpec((_R, HIDDEN), lambda i: (i, 0)),
        ],
        out_shape=[
            jax.ShapeDtypeStruct((N_NODES, HIDDEN), jnp.float32),
            jax.ShapeDtypeStruct((N_NODES, HIDDEN), jnp.float32),
        ],
    )(x, W1, degp)


def _tc2(agg1, y1, dinv, b1r, W2p):
    def body(a_ref, y_ref, dinv_ref, b_ref, w_ref, y2_ref):
        s = (a_ref[0] + a_ref[1] + y_ref[...]) * dinv_ref[...] + b_ref[...]
        h = jnp.maximum(s, 0.0)
        y2 = jnp.dot(h, w_ref[...], preferred_element_type=jnp.float32)
        y2_ref[...] = y2 * dinv_ref[...][:, 0:1]

    return pl.pallas_call(
        body,
        grid=(N_NODES // _R,),
        in_specs=[
            pl.BlockSpec((NC, _R, HIDDEN), lambda i: (0, i, 0)),
            pl.BlockSpec((_R, HIDDEN), lambda i: (i, 0)),
            pl.BlockSpec((_R, HIDDEN), lambda i: (i, 0)),
            pl.BlockSpec((1, HIDDEN), lambda i: (0, 0)),
            pl.BlockSpec((HIDDEN, F2), lambda i: (0, 0)),
        ],
        out_specs=pl.BlockSpec((_R, F2), lambda i: (i, 0)),
        out_shape=jax.ShapeDtypeStruct((N_NODES, F2), jnp.float32),
    )(agg1, y1, dinv, b1r, W2p)


def _tc3(agg2, y2, dinv, b2p):
    def body(a_ref, y_ref, dinv_ref, b_ref, o_ref):
        z = (a_ref[0] + a_ref[1] + y_ref[...]) * dinv_ref[...][:, 0:1] + b_ref[...]
        m = jnp.max(z, axis=1, keepdims=True)
        e = jnp.exp(z - m)
        ssum = jnp.sum(e, axis=1, keepdims=True)
        o_ref[...] = (z - m - jnp.log(ssum))[:, :N_CLASS]

    return pl.pallas_call(
        body,
        grid=(N_NODES // _R,),
        in_specs=[
            pl.BlockSpec((NC, _R, F2), lambda i: (0, i, 0)),
            pl.BlockSpec((_R, F2), lambda i: (i, 0)),
            pl.BlockSpec((_R, HIDDEN), lambda i: (i, 0)),
            pl.BlockSpec((1, F2), lambda i: (0, 0)),
        ],
        out_specs=pl.BlockSpec((_R, N_CLASS), lambda i: (i, 0)),
        out_shape=jax.ShapeDtypeStruct((N_NODES, N_CLASS), jnp.float32),
    )(agg2, y2, dinv, b2p)


def kernel(x, edge_index, W1, b1, W2, b2):
    src = edge_index[0].astype(jnp.int32).reshape(NW, NCHUNK, K)
    dst = edge_index[1].astype(jnp.int32).reshape(NW, NCHUNK, K)

    degp = _make_deg()(dst)
    y1, dinv = _tc1(x, W1, degp)
    agg1 = _make_agg(HIDDEN)(y1, src, dst)

    W2p = jnp.pad(W2, ((0, 0), (0, F2 - N_CLASS)))
    b1r = b1.reshape(1, HIDDEN)
    y2 = _tc2(agg1, y1, dinv, b1r, W2p)
    agg2 = _make_agg(F2)(y2, src, dst)

    b2p = jnp.concatenate(
        [b2, jnp.full((F2 - N_CLASS,), -1e30, jnp.float32)]
    ).reshape(1, F2)
    return _tc3(agg2, y2, dinv, b2p)

# --- scband reference (transcript-rebuilt; emitter-appended) ---
"""Pipeline reference for scband-gcn-simple-31104153158271 (READ-ONLY COPY).

The authoritative reference and input builder live on the scoring server;
editing this copy changes nothing except your own understanding.
"""

import jax, jax.numpy as jnp
import numpy as np

N_NODES = 10000
N_EDGES = 320000
D_FEAT = 128
HIDDEN = 16
N_CLASS = 40


def gcn_conv(x, edge_index, W, b, num_nodes):
    # Linear transform first (PyG GCNConv behavior)
    xw = x @ W
    src = edge_index[0]
    dst = edge_index[1]
    # add self loops
    loop = jnp.arange(num_nodes, dtype=edge_index.dtype)
    src = jnp.concatenate([src, loop])
    dst = jnp.concatenate([dst, loop])
    # symmetric normalization D^{-1/2} A_hat D^{-1/2}
    ones = jnp.ones(src.shape[0], dtype=xw.dtype)
    deg = jax.ops.segment_sum(ones, dst, num_segments=num_nodes)
    dinv = jnp.where(deg > 0, 1.0 / jnp.sqrt(deg), 0.0)
    norm = dinv[src] * dinv[dst]
    # gather, scale, scatter-add
    msg = xw[src] * norm[:, None]
    out = jax.ops.segment_sum(msg, dst, num_segments=num_nodes)
    return out + b


def setup_inputs(seed: int = 0) -> dict:
    key = jax.random.key(seed)
    k1, k2, k3, k4, k5, k6 = jax.random.split(key, 6)
    x = jax.random.normal(k1, (N_NODES, D_FEAT), dtype=jnp.float32)
    edge_index = jax.random.randint(k2, (2, N_EDGES), 0, N_NODES, dtype=jnp.int64)
    # glorot-style init for GCN layer weights
    s1 = float(np.sqrt(6.0 / (D_FEAT + HIDDEN)))
    W1 = jax.random.uniform(k3, (D_FEAT, HIDDEN), dtype=jnp.float32, minval=-s1, maxval=s1)
    b1 = jnp.zeros((HIDDEN,), dtype=jnp.float32)
    s2 = float(np.sqrt(6.0 / (HIDDEN + N_CLASS)))
    W2 = jax.random.uniform(k4, (HIDDEN, N_CLASS), dtype=jnp.float32, minval=-s2, maxval=s2)
    b2 = jnp.zeros((N_CLASS,), dtype=jnp.float32)
    return {"x": x, "edge_index": edge_index, "W1": W1, "b1": b1, "W2": W2, "b2": b2}


def reference(x, edge_index, W1, b1, W2, b2):
    num_nodes = x.shape[0]
    h = jax.nn.relu(gcn_conv(x, edge_index, W1, b1, num_nodes))
    # dropout is a no-op in eval mode (training=False)
    h = gcn_conv(h, edge_index, W2, b2, num_nodes)
    return jax.nn.log_softmax(h, axis=1)

if __name__ == "__main__":
    import jax
    _d = setup_inputs()
    print(jax.jit(kernel)(*tuple(_d.values())))

</pallas_src>

<mosaic_0001>
#map = affine_map<(d0, d1) -> (0, 0)>
#map1 = affine_map<(d0, d1) -> (0, 0, 0)>
module attributes {stable_mosaic.version = 14 : i64} {
  func.func @agg_kernel(%arg0: i32, %arg1: i32, %arg2: memref<10000x16xf32, #tpu.memory_space<hbm>>, %arg3: memref<32x125x80xi32, #tpu.memory_space<hbm>>, %arg4: memref<32x125x80xi32, #tpu.memory_space<hbm>>, %arg5: memref<2x10240x16xf32, #tpu.memory_space<hbm>>, %arg6: memref<125x80xi32, #tpu.memory_space<vmem>>, %arg7: memref<125x80xi32, #tpu.memory_space<vmem>>, %arg8: memref<2x80x16xf32, #tpu.memory_space<vmem>>, %arg9: memref<640x16xf32, #tpu.memory_space<vmem>>, %arg10: memref<10240x16xf32, #tpu.memory_space<vmem_shared>>, %arg11: memref<10240x16xf32, #tpu.memory_space<vmem_shared>>, %arg12: memref<2x!tpu.dma_semaphore, #tpu.memory_space<semaphore_mem>>, %arg13: memref<2x!tpu.dma_semaphore, #tpu.memory_space<semaphore_mem>>) attributes {dimension_semantics = [#tpu.dimension_semantics<core_parallel>, #tpu.dimension_semantics<subcore_parallel>], iteration_bounds = array<i64: 2, 16>, scalar_prefetch = 0 : i64, scratch_operands = 8 : i64, tpu.core_type = #tpu.core_type<sc_vector_subcore>, window_params = [{transform_indices = #map}, {transform_indices = #map1}, {transform_indices = #map1}, {transform_indices = #map1}]} {
    %mul3A = arith.constant 2 : i32
    %mul3A_0 = arith.muli %arg1, %mul3A : i32
    %add3A = arith.addi %mul3A_0, %arg0 : i32
    %mul3A_1 = arith.constant 640 : i32
    %mul3A_2 = arith.muli %arg1, %mul3A_1 : i32
    %min3A = arith.constant 9360 : i32
    %min3A_3 = arith.minsi %mul3A_2, %min3A : i32
    "tpu.region"() ({
      %run_scoped3A = tpu.sem_alloc : memref<!tpu.dma_semaphore, #tpu.memory_space<semaphore_mem>>
      %dma_start3A_51 = arith.constant 0 : i32
      %dma_start3A_52 = tpu.memref_slice %arg11[%min3A_3, %dma_start3A_51] : memref<10240x16xf32, #tpu.memory_space<vmem_shared>> -> memref<640x16xf32, #tpu.memory_space<vmem_shared>>
      %dma_start3A_53 = arith.constant 0 : i32
      %dma_start3A_54 = tpu.memref_slice %arg2[%min3A_3, %dma_start3A_53] : memref<10000x16xf32, #tpu.memory_space<hbm>> -> memref<640x16xf32, #tpu.memory_space<hbm>>
      tpu.enqueue_dma source(%dma_start3A_54 : memref<640x16xf32, #tpu.memory_space<hbm>>) target(%dma_start3A_52 : memref<640x16xf32, #tpu.memory_space<vmem_shared>>) target_semaphore(%run_scoped3A : memref<!tpu.dma_semaphore, #tpu.memory_space<semaphore_mem>>)
      %dma_wait3A_55 = arith.constant 0 : i32
      %dma_wait3A_56 = tpu.memref_slice %arg11[%min3A_3, %dma_wait3A_55] : memref<10240x16xf32, #tpu.memory_space<vmem_shared>> -> memref<640x16xf32, #tpu.memory_space<vmem_shared>>
      %dma_wait3A_57 = arith.constant 0 : i32
      %dma_wait3A_58 = tpu.memref_slice %arg2[%min3A_3, %dma_wait3A_57] : memref<10000x16xf32, #tpu.memory_space<hbm>> -> memref<640x16xf32, #tpu.memory_space<hbm>>
      tpu.wait_dma2 semaphore(%run_scoped3A : memref<!tpu.dma_semaphore, #tpu.memory_space<semaphore_mem>>) src(%dma_wait3A_58 : memref<640x16xf32, #tpu.memory_space<hbm>>) dst(%dma_wait3A_56 : memref<640x16xf32, #tpu.memory_space<vmem_shared>>)
      tpu.yield
    }) : () -> ()
    %broadcast_in_dim3A = arith.constant 0.000000e+00 : f32
    %broadcast_in_dim3A_4 = vector.broadcast %broadcast_in_dim3A : f32 to vector<16xf32>
    %scan3A = arith.constant 0 : i32
    %scan3A_5 = arith.constant 0 : i32
    %scan3A_6 = arith.constant 640 : i32
    %scan3A_7 = arith.addi %scan3A_5, %scan3A_6 : i32
    %scan3A_8 = arith.constant 1 : i32
    scf.for %scan3A_51 = %scan3A_5 to %scan3A_7 step %scan3A_8  : i32 {
      %swap3A = arith.index_cast %scan3A_51 : i32 to index
      %swap3A_52 = arith.constant 0 : index
      %swap3A_53 = tpu.vector_load %arg9[%swap3A, %swap3A_52] {strides = array<i32>} : memref<640x16xf32, #tpu.memory_space<vmem>>, vector<1x16xf32>,
      %swap3A_54 = vector.shape_cast %swap3A_53 : vector<1x16xf32> to vector<16xf32>
      %swap3A_55 = vector.shape_cast %broadcast_in_dim3A_4 : vector<16xf32> to vector<1x16xf32>
      tpu.vector_store %arg9[%swap3A, %swap3A_52], %swap3A_55 {strides = array<i32>} : memref<640x16xf32, #tpu.memory_space<vmem>>, vector<1x16xf32>,
    }
    %scan3A_9 = arith.constant 640 : i32
    %mul3A_10 = arith.constant 640 : i32
    %mul3A_11 = arith.muli %arg1, %mul3A_10 : i32
    "tpu.region"() ({
      %run_scoped3A = tpu.sem_alloc : memref<!tpu.dma_semaphore, #tpu.memory_space<semaphore_mem>>
      %dma_start3A_51 = arith.constant 0 : i32
      %dma_start3A_52 = tpu.memref_slice %arg10[%mul3A_11, %dma_start3A_51] : memref<10240x16xf32, #tpu.memory_space<vmem_shared>> -> memref<640x16xf32, #tpu.memory_space<vmem_shared>>
      %dma_start3A_53 = arith.constant 0 : i32
      %dma_start3A_54 = tpu.memref_slice %arg10[%mul3A_11, %dma_start3A_53] : memref<10240x16xf32, #tpu.memory_space<vmem_shared>> -> memref<640x16xf32, #tpu.memory_space<vmem_shared>>
      tpu.enqueue_dma source(%arg9 : memref<640x16xf32, #tpu.memory_space<vmem>>) target(%dma_start3A_54 : memref<640x16xf32, #tpu.memory_space<vmem_shared>>) target_semaphore(%run_scoped3A : memref<!tpu.dma_semaphore, #tpu.memory_space<semaphore_mem>>)
      %dma_wait3A_55 = arith.constant 0 : i32
      %dma_wait3A_56 = tpu.memref_slice %arg10[%mul3A_11, %dma_wait3A_55] : memref<10240x16xf32, #tpu.memory_space<vmem_shared>> -> memref<640x16xf32, #tpu.memory_space<vmem_shared>>
      %dma_wait3A_57 = arith.constant 0 : i32
      %dma_wait3A_58 = tpu.memref_slice %arg10[%mul3A_11, %dma_wait3A_57] : memref<10240x16xf32, #tpu.memory_space<vmem_shared>> -> memref<640x16xf32, #tpu.memory_space<vmem_shared>>
      tpu.wait_dma2 semaphore(%run_scoped3A : memref<!tpu.dma_semaphore, #tpu.memory_space<semaphore_mem>>) src(%arg9 : memref<640x16xf32, #tpu.memory_space<vmem>>) dst(%dma_wait3A_58 : memref<640x16xf32, #tpu.memory_space<vmem_shared>>)
      tpu.yield
    }) : () -> ()
    "tpu.region"() ({
      %run_scoped3A = tpu.sem_alloc : memref<!tpu.dma_semaphore, #tpu.memory_space<semaphore_mem>>
      %dma_start3A_51 = arith.constant 0 : i32
      %dma_start3A_52 = arith.constant 0 : i32
      %dma_start3A_53 = tpu.memref_slice %arg3[%add3A, %dma_start3A_51, %dma_start3A_52] : memref<32x125x80xi32, #tpu.memory_space<hbm>> -> memref<1x125x80xi32, #tpu.memory_space<hbm>>
      %dma_start3A_54 = tpu.memref_squeeze %dma_start3A_53 : memref<1x125x80xi32, #tpu.memory_space<hbm>> -> memref<125x80xi32, #tpu.memory_space<hbm>>
      %dma_start3A_55 = arith.constant 0 : i32
      %dma_start3A_56 = arith.constant 0 : i32
      %dma_start3A_57 = tpu.memref_slice %arg3[%add3A, %dma_start3A_55, %dma_start3A_56] : memref<32x125x80xi32, #tpu.memory_space<hbm>> -> memref<1x125x80xi32, #tpu.memory_space<hbm>>
      %dma_start3A_58 = tpu.memref_squeeze %dma_start3A_57 : memref<1x125x80xi32, #tpu.memory_space<hbm>> -> memref<125x80xi32, #tpu.memory_space<hbm>>
      tpu.enqueue_dma source(%dma_start3A_58 : memref<125x80xi32, #tpu.memory_space<hbm>>) target(%arg6 : memref<125x80xi32, #tpu.memory_space<vmem>>) target_semaphore(%run_scoped3A : memref<!tpu.dma_semaphore, #tpu.memory_space<semaphore_mem>>)
      %dma_wait3A_59 = arith.constant 0 : i32
      %dma_wait3A_60 = arith.constant 0 : i32
      %dma_wait3A_61 = tpu.memref_slice %arg3[%add3A, %dma_wait3A_59, %dma_wait3A_60] : memref<32x125x80xi32, #tpu.memory_space<hbm>> -> memref<1x125x80xi32, #tpu.memory_space<hbm>>
      %dma_wait3A_62 = tpu.memref_squeeze %dma_wait3A_61 : memref<1x125x80xi32, #tpu.memory_space<hbm>> -> memref<125x80xi32, #tpu.memory_space<hbm>>
      %dma_wait3A_63 = arith.constant 0 : i32
      %dma_wait3A_64 = arith.constant 0 : i32
      %dma_wait3A_65 = tpu.memref_slice %arg3[%add3A, %dma_wait3A_63, %dma_wait3A_64] : memref<32x125x80xi32, #tpu.memory_space<hbm>> -> memref<1x125x80xi32, #tpu.memory_space<hbm>>
      %dma_wait3A_66 = tpu.memref_squeeze %dma_wait3A_65 : memref<1x125x80xi32, #tpu.memory_space<hbm>> -> memref<125x80xi32, #tpu.memory_space<hbm>>
      tpu.wait_dma2 semaphore(%run_scoped3A : memref<!tpu.dma_semaphore, #tpu.memory_space<semaphore_mem>>) src(%dma_wait3A_66 : memref<125x80xi32, #tpu.memory_space<hbm>>) dst(%arg6 : memref<125x80xi32, #tpu.memory_space<vmem>>)
      tpu.yield
    }) : () -> ()
    "tpu.region"() ({
      %run_scoped3A = tpu.sem_alloc : memref<!tpu.dma_semaphore, #tpu.memory_space<semaphore_mem>>
      %dma_start3A_51 = arith.constant 0 : i32
      %dma_start3A_52 = arith.constant 0 : i32
      %dma_start3A_53 = tpu.memref_slice %arg4[%add3A, %dma_start3A_51, %dma_start3A_52] : memref<32x125x80xi32, #tpu.memory_space<hbm>> -> memref<1x125x80xi32, #tpu.memory_space<hbm>>
      %dma_start3A_54 = tpu.memref_squeeze %dma_start3A_53 : memref<1x125x80xi32, #tpu.memory_space<hbm>> -> memref<125x80xi32, #tpu.memory_space<hbm>>
      %dma_start3A_55 = arith.constant 0 : i32
      %dma_start3A_56 = arith.constant 0 : i32
      %dma_start3A_57 = tpu.memref_slice %arg4[%add3A, %dma_start3A_55, %dma_start3A_56] : memref<32x125x80xi32, #tpu.memory_space<hbm>> -> memref<1x125x80xi32, #tpu.memory_space<hbm>>
      %dma_start3A_58 = tpu.memref_squeeze %dma_start3A_57 : memref<1x125x80xi32, #tpu.memory_space<hbm>> -> memref<125x80xi32, #tpu.memory_space<hbm>>
      tpu.enqueue_dma source(%dma_start3A_58 : memref<125x80xi32, #tpu.memory_space<hbm>>) target(%arg7 : memref<125x80xi32, #tpu.memory_space<vmem>>) target_semaphore(%run_scoped3A : memref<!tpu.dma_semaphore, #tpu.memory_space<semaphore_mem>>)
      %dma_wait3A_59 = arith.constant 0 : i32
      %dma_wait3A_60 = arith.constant 0 : i32
      %dma_wait3A_61 = tpu.memref_slice %arg4[%add3A, %dma_wait3A_59, %dma_wait3A_60] : memref<32x125x80xi32, #tpu.memory_space<hbm>> -> memref<1x125x80xi32, #tpu.memory_space<hbm>>
      %dma_wait3A_62 = tpu.memref_squeeze %dma_wait3A_61 : memref<1x125x80xi32, #tpu.memory_space<hbm>> -> memref<125x80xi32, #tpu.memory_space<hbm>>
      %dma_wait3A_63 = arith.constant 0 : i32
      %dma_wait3A_64 = arith.constant 0 : i32
      %dma_wait3A_65 = tpu.memref_slice %arg4[%add3A, %dma_wait3A_63, %dma_wait3A_64] : memref<32x125x80xi32, #tpu.memory_space<hbm>> -> memref<1x125x80xi32, #tpu.memory_space<hbm>>
      %dma_wait3A_66 = tpu.memref_squeeze %dma_wait3A_65 : memref<1x125x80xi32, #tpu.memory_space<hbm>> -> memref<125x80xi32, #tpu.memory_space<hbm>>
      tpu.wait_dma2 semaphore(%run_scoped3A : memref<!tpu.dma_semaphore, #tpu.memory_space<semaphore_mem>>) src(%dma_wait3A_66 : memref<125x80xi32, #tpu.memory_space<hbm>>) dst(%arg7 : memref<125x80xi32, #tpu.memory_space<vmem>>)
      tpu.yield
    }) : () -> ()
    %barrier3A = arith.constant 0 : index
    tpu.barrier barrier_id(%barrier3A)
    %dma_start3A = arith.constant 0 : i32
    %dma_start3A_12 = arith.constant 0 : i32
    %dma_start3A_13 = arith.constant 0 : i32
    %dma_start3A_14 = arith.constant 0 : i32
    %dma_start3A_15 = arith.constant 0 : i32
    %dma_start3A_16 = tpu.memref_slice %arg8[%dma_start3A_12, %dma_start3A_14, %dma_start3A_15] : memref<2x80x16xf32, #tpu.memory_space<vmem>> -> memref<1x80x16xf32, #tpu.memory_space<vmem>>
    %dma_start3A_17 = tpu.memref_squeeze %dma_start3A_16 : memref<1x80x16xf32, #tpu.memory_space<vmem>> -> memref<80x16xf32, #tpu.memory_space<vmem>>
    %dma_start3A_18 = arith.constant 0 : i32
    %dma_start3A_19 = tpu.memref_slice %arg6[%dma_start3A, %dma_start3A_18] : memref<125x80xi32, #tpu.memory_space<vmem>> -> memref<1x80xi32, #tpu.memory_space<vmem>>
    %dma_start3A_20 = tpu.memref_squeeze %dma_start3A_19 : memref<1x80xi32, #tpu.memory_space<vmem>> -> memref<80xi32, #tpu.memory_space<vmem>>
    %dma_start3A_21 = arith.constant 0 : i32
    %dma_start3A_22 = arith.constant 0 : i32
    %dma_start3A_23 = tpu.memref_slice %arg11[%dma_start3A_21, %dma_start3A_22] : memref<10240x16xf32, #tpu.memory_space<vmem_shared>> -> memref<10240x16xf32, #tpu.memory_space<vmem_shared>>
    %dma_start3A_24 = tpu.memref_slice %arg12[%dma_start3A_13] : memref<2x!tpu.dma_semaphore, #tpu.memory_space<semaphore_mem>> -> memref<1x!tpu.dma_semaphore, #tpu.memory_space<semaphore_mem>>
    %dma_start3A_25 = tpu.memref_squeeze %dma_start3A_24 : memref<1x!tpu.dma_semaphore, #tpu.memory_space<semaphore_mem>> -> memref<!tpu.dma_semaphore, #tpu.memory_space<semaphore_mem>>
    tpu.enqueue_indirect_dma source(%dma_start3A_23 : memref<10240x16xf32, #tpu.memory_space<vmem_shared>>) target(%dma_start3A_17 : memref<80x16xf32, #tpu.memory_space<vmem>>) offsets(%dma_start3A_20 : memref<80xi32, #tpu.memory_space<vmem>>) semaphore(%dma_start3A_25 : memref<!tpu.dma_semaphore, #tpu.memory_space<semaphore_mem>>)
    %scan3A_26 = arith.constant 0 : i32
    %scan3A_27 = arith.constant 0 : i32
    %scan3A_28 = arith.constant 125 : i32
    %scan3A_29 = arith.addi %scan3A_27, %scan3A_28 : i32
    %scan3A_30 = arith.constant 1 : i32
    scf.for %scan3A_51 = %scan3A_27 to %scan3A_29 step %scan3A_30  : i32 {
      %rem3A = arith.constant 2 : i32
      %rem3A_52 = arith.remsi %scan3A_51, %rem3A : i32
      %add3A_53 = arith.constant 1 : i32
      %add3A_54 = arith.addi %scan3A_51, %add3A_53 : i32
      %rem3A_55 = arith.constant 2 : i32
      %rem3A_56 = arith.remsi %add3A_54, %rem3A_55 : i32
      %dma_wait3A_57 = arith.constant 0 : i32
      %dma_wait3A_58 = arith.constant 0 : i32
      %dma_wait3A_59 = tpu.memref_slice %arg8[%rem3A_52, %dma_wait3A_57, %dma_wait3A_58] : memref<2x80x16xf32, #tpu.memory_space<vmem>> -> memref<1x80x16xf32, #tpu.memory_space<vmem>>
      %dma_wait3A_60 = tpu.memref_squeeze %dma_wait3A_59 : memref<1x80x16xf32, #tpu.memory_space<vmem>> -> memref<80x16xf32, #tpu.memory_space<vmem>>
      %dma_wait3A_61 = arith.constant 0 : i32
      %dma_wait3A_62 = tpu.memref_slice %arg6[%scan3A_51, %dma_wait3A_61] : memref<125x80xi32, #tpu.memory_space<vmem>> -> memref<1x80xi32, #tpu.memory_space<vmem>>
      %dma_wait3A_63 = tpu.memref_squeeze %dma_wait3A_62 : memref<1x80xi32, #tpu.memory_space<vmem>> -> memref<80xi32, #tpu.memory_space<vmem>>
      %dma_wait3A_64 = arith.constant 0 : i32
      %dma_wait3A_65 = arith.constant 0 : i32
      %dma_wait3A_66 = tpu.memref_slice %arg11[%dma_wait3A_64, %dma_wait3A_65] : memref<10240x16xf32, #tpu.memory_space<vmem_shared>> -> memref<10240x16xf32, #tpu.memory_space<vmem_shared>>
      %dma_wait3A_67 = tpu.memref_slice %arg12[%rem3A_52] : memref<2x!tpu.dma_semaphore, #tpu.memory_space<semaphore_mem>> -> memref<1x!tpu.dma_semaphore, #tpu.memory_space<semaphore_mem>>
      %dma_wait3A_68 = tpu.memref_squeeze %dma_wait3A_67 : memref<1x!tpu.dma_semaphore, #tpu.memory_space<semaphore_mem>> -> memref<!tpu.dma_semaphore, #tpu.memory_space<semaphore_mem>>
      tpu.wait_indirect_dma semaphore(%dma_wait3A_68 : memref<!tpu.dma_semaphore, #tpu.memory_space<semaphore_mem>>) src(%dma_wait3A_66 : memref<10240x16xf32, #tpu.memory_space<vmem_shared>>) dst(%dma_wait3A_60 : memref<80x16xf32, #tpu.memory_space<vmem>>)
      %gt3A = arith.constant 0 : i32
      %gt3A_69 = arith.cmpi sgt, %scan3A_51, %gt3A : i32
      %convert_element_type3A = arith.extui %gt3A_69 : i1 to i32
      %cond3A = arith.constant 0 : i32
      %cond3A_70 = arith.cmpi ne, %convert_element_type3A, %cond3A : i32
      scf.if %cond3A_70 {
        %sub3A = arith.constant 1 : i32
        %sub3A_87 = arith.subi %scan3A_51, %sub3A : i32
        %dma_wait3A_88 = arith.constant 0 : i32
        %dma_wait3A_89 = arith.constant 0 : i32
        %dma_wait3A_90 = tpu.memref_slice %arg8[%rem3A_56, %dma_wait3A_88, %dma_wait3A_89] : memref<2x80x16xf32, #tpu.memory_space<vmem>> -> memref<1x80x16xf32, #tpu.memory_space<vmem>>
        %dma_wait3A_91 = tpu.memref_squeeze %dma_wait3A_90 : memref<1x80x16xf32, #tpu.memory_space<vmem>> -> memref<80x16xf32, #tpu.memory_space<vmem>>
        %dma_wait3A_92 = arith.constant 0 : i32
        %dma_wait3A_93 = tpu.memref_slice %arg7[%sub3A_87, %dma_wait3A_92] : memref<125x80xi32, #tpu.memory_space<vmem>> -> memref<1x80xi32, #tpu.memory_space<vmem>>
        %dma_wait3A_94 = tpu.memref_squeeze %dma_wait3A_93 : memref<1x80xi32, #tpu.memory_space<vmem>> -> memref<80xi32, #tpu.memory_space<vmem>>
        %dma_wait3A_95 = arith.constant 0 : i32
        %dma_wait3A_96 = arith.constant 0 : i32
        %dma_wait3A_97 = tpu.memref_slice %arg10[%dma_wait3A_95, %dma_wait3A_96] : memref<10240x16xf32, #tpu.memory_space<vmem_shared>> -> memref<10240x16xf32, #tpu.memory_space<vmem_shared>>
        %dma_wait3A_98 = tpu.memref_slice %arg13[%rem3A_56] : memref<2x!tpu.dma_semaphore, #tpu.memory_space<semaphore_mem>> -> memref<1x!tpu.dma_semaphore, #tpu.memory_space<semaphore_mem>>
        %dma_wait3A_99 = tpu.memref_squeeze %dma_wait3A_98 : memref<1x!tpu.dma_semaphore, #tpu.memory_space<semaphore_mem>> -> memref<!tpu.dma_semaphore, #tpu.memory_space<semaphore_mem>>
        tpu.wait_indirect_dma semaphore(%dma_wait3A_99 : memref<!tpu.dma_semaphore, #tpu.memory_space<semaphore_mem>>) src(%dma_wait3A_91 : memref<80x16xf32, #tpu.memory_space<vmem>>) dst(%dma_wait3A_97 : memref<10240x16xf32, #tpu.memory_space<vmem_shared>>)
      } else {
      }
      %lt3A = arith.constant 124 : i32
      %lt3A_71 = arith.cmpi slt, %scan3A_51, %lt3A : i32
      %convert_element_type3A_72 = arith.extui %lt3A_71 : i1 to i32
      %cond3A_73 = arith.constant 0 : i32
      %cond3A_74 = arith.cmpi ne, %convert_element_type3A_72, %cond3A_73 : i32
      scf.if %cond3A_74 {
        %add3A_87 = arith.constant 1 : i32
        %add3A_88 = arith.addi %scan3A_51, %add3A_87 : i32
        %dma_start3A_89 = arith.constant 0 : i32
        %dma_start3A_90 = arith.constant 0 : i32
        %dma_start3A_91 = tpu.memref_slice %arg8[%rem3A_56, %dma_start3A_89, %dma_start3A_90] : memref<2x80x16xf32, #tpu.memory_space<vmem>> -> memref<1x80x16xf32, #tpu.memory_space<vmem>>
        %dma_start3A_92 = tpu.memref_squeeze %dma_start3A_91 : memref<1x80x16xf32, #tpu.memory_space<vmem>> -> memref<80x16xf32, #tpu.memory_space<vmem>>
        %dma_start3A_93 = arith.constant 0 : i32
        %dma_start3A_94 = tpu.memref_slice %arg6[%add3A_88, %dma_start3A_93] : memref<125x80xi32, #tpu.memory_space<vmem>> -> memref<1x80xi32, #tpu.memory_space<vmem>>
        %dma_start3A_95 = tpu.memref_squeeze %dma_start3A_94 : memref<1x80xi32, #tpu.memory_space<vmem>> -> memref<80xi32, #tpu.memory_space<vmem>>
        %dma_start3A_96 = arith.constant 0 : i32
        %dma_start3A_97 = arith.constant 0 : i32
        %dma_start3A_98 = tpu.memref_slice %arg11[%dma_start3A_96, %dma_start3A_97] : memref<10240x16xf32, #tpu.memory_space<vmem_shared>> -> memref<10240x16xf32, #tpu.memory_space<vmem_shared>>
        %dma_start3A_99 = tpu.memref_slice %arg12[%rem3A_56] : memref<2x!tpu.dma_semaphore, #tpu.memory_space<semaphore_mem>> -> memref<1x!tpu.dma_semaphore, #tpu.memory_space<semaphore_mem>>
        %dma_start3A_100 = tpu.memref_squeeze %dma_start3A_99 : memref<1x!tpu.dma_semaphore, #tpu.memory_space<semaphore_mem>> -> memref<!tpu.dma_semaphore, #tpu.memory_space<semaphore_mem>>
        tpu.enqueue_indirect_dma source(%dma_start3A_98 : memref<10240x16xf32, #tpu.memory_space<vmem_shared>>) target(%dma_start3A_92 : memref<80x16xf32, #tpu.memory_space<vmem>>) offsets(%dma_start3A_95 : memref<80xi32, #tpu.memory_space<vmem>>) semaphore(%dma_start3A_100 : memref<!tpu.dma_semaphore, #tpu.memory_space<semaphore_mem>>)
      } else {
      }
      %dma_start3A_75 = arith.constant 0 : i32
      %dma_start3A_76 = arith.constant 0 : i32
      %dma_start3A_77 = tpu.memref_slice %arg8[%rem3A_52, %dma_start3A_75, %dma_start3A_76] : memref<2x80x16xf32, #tpu.memory_space<vmem>> -> memref<1x80x16xf32, #tpu.memory_space<vmem>>
      %dma_start3A_78 = tpu.memref_squeeze %dma_start3A_77 : memref<1x80x16xf32, #tpu.memory_space<vmem>> -> memref<80x16xf32, #tpu.memory_space<vmem>>
      %dma_start3A_79 = arith.constant 0 : i32
      %dma_start3A_80 = tpu.memref_slice %arg7[%scan3A_51, %dma_start3A_79] : memref<125x80xi32, #tpu.memory_space<vmem>> -> memref<1x80xi32, #tpu.memory_space<vmem>>
      %dma_start3A_81 = tpu.memref_squeeze %dma_start3A_80 : memref<1x80xi32, #tpu.memory_space<vmem>> -> memref<80xi32, #tpu.memory_space<vmem>>
      %dma_start3A_82 = arith.constant 0 : i32
      %dma_start3A_83 = arith.constant 0 : i32
      %dma_start3A_84 = tpu.memref_slice %arg10[%dma_start3A_82, %dma_start3A_83] : memref<10240x16xf32, #tpu.memory_space<vmem_shared>> -> memref<10240x16xf32, #tpu.memory_space<vmem_shared>>
      %dma_start3A_85 = tpu.memref_slice %arg13[%rem3A_52] : memref<2x!tpu.dma_semaphore, #tpu.memory_space<semaphore_mem>> -> memref<1x!tpu.dma_semaphore, #tpu.memory_space<semaphore_mem>>
      %dma_start3A_86 = tpu.memref_squeeze %dma_start3A_85 : memref<1x!tpu.dma_semaphore, #tpu.memory_space<semaphore_mem>> -> memref<!tpu.dma_semaphore, #tpu.memory_space<semaphore_mem>>
      tpu.enqueue_indirect_dma source(%dma_start3A_78 : memref<80x16xf32, #tpu.memory_space<vmem>>) target(%dma_start3A_84 : memref<10240x16xf32, #tpu.memory_space<vmem_shared>>) offsets(%dma_start3A_81 : memref<80xi32, #tpu.memory_space<vmem>>) semaphore(%dma_start3A_86 : memref<!tpu.dma_semaphore, #tpu.memory_space<semaphore_mem>>) {add = true}
    }
    %scan3A_31 = arith.constant 125 : i32
    %dma_wait3A = arith.constant 0 : i32
    %dma_wait3A_32 = arith.constant 124 : i32
    %dma_wait3A_33 = arith.constant 0 : i32
    %dma_wait3A_34 = arith.constant 0 : i32
    %dma_wait3A_35 = arith.constant 0 : i32
    %dma_wait3A_36 = tpu.memref_slice %arg8[%dma_wait3A, %dma_wait3A_34, %dma_wait3A_35] : memref<2x80x16xf32, #tpu.memory_space<vmem>> -> memref<1x80x16xf32, #tpu.memory_space<vmem>>
    %dma_wait3A_37 = tpu.memref_squeeze %dma_wait3A_36 : memref<1x80x16xf32, #tpu.memory_space<vmem>> -> memref<80x16xf32, #tpu.memory_space<vmem>>
    %dma_wait3A_38 = arith.constant 0 : i32
    %dma_wait3A_39 = tpu.memref_slice %arg7[%dma_wait3A_32, %dma_wait3A_38] : memref<125x80xi32, #tpu.memory_space<vmem>> -> memref<1x80xi32, #tpu.memory_space<vmem>>
    %dma_wait3A_40 = tpu.memref_squeeze %dma_wait3A_39 : memref<1x80xi32, #tpu.memory_space<vmem>> -> memref<80xi32, #tpu.memory_space<vmem>>
    %dma_wait3A_41 = arith.constant 0 : i32
    %dma_wait3A_42 = arith.constant 0 : i32
    %dma_wait3A_43 = tpu.memref_slice %arg10[%dma_wait3A_41, %dma_wait3A_42] : memref<10240x16xf32, #tpu.memory_space<vmem_shared>> -> memref<10240x16xf32, #tpu.memory_space<vmem_shared>>
    %dma_wait3A_44 = tpu.memref_slice %arg13[%dma_wait3A_33] : memref<2x!tpu.dma_semaphore, #tpu.memory_space<semaphore_mem>> -> memref<1x!tpu.dma_semaphore, #tpu.memory_space<semaphore_mem>>
    %dma_wait3A_45 = tpu.memref_squeeze %dma_wait3A_44 : memref<1x!tpu.dma_semaphore, #tpu.memory_space<semaphore_mem>> -> memref<!tpu.dma_semaphore, #tpu.memory_space<semaphore_mem>>
    tpu.wait_indirect_dma semaphore(%dma_wait3A_45 : memref<!tpu.dma_semaphore, #tpu.memory_space<semaphore_mem>>) src(%dma_wait3A_37 : memref<80x16xf32, #tpu.memory_space<vmem>>) dst(%dma_wait3A_43 : memref<10240x16xf32, #tpu.memory_space<vmem_shared>>)
    %barrier3A_46 = arith.constant 0 : index
    tpu.barrier barrier_id(%barrier3A_46)
    %mul3A_47 = arith.constant 640 : i32
    %mul3A_48 = arith.muli %arg1, %mul3A_47 : i32
    %mul3A_49 = arith.constant 640 : i32
    %mul3A_50 = arith.muli %arg1, %mul3A_49 : i32
    "tpu.region"() ({
      %run_scoped3A = tpu.sem_alloc : memref<!tpu.dma_semaphore, #tpu.memory_space<semaphore_mem>>
      %dma_start3A_51 = arith.constant 0 : i32
      %dma_start3A_52 = tpu.memref_slice %arg5[%arg0, %mul3A_50, %dma_start3A_51] : memref<2x10240x16xf32, #tpu.memory_space<hbm>> -> memref<1x640x16xf32, #tpu.memory_space<hbm>>
      %dma_start3A_53 = tpu.memref_squeeze %dma_start3A_52 : memref<1x640x16xf32, #tpu.memory_space<hbm>> -> memref<640x16xf32, #tpu.memory_space<hbm>>
      %dma_start3A_54 = arith.constant 0 : i32
      %dma_start3A_55 = tpu.memref_slice %arg10[%mul3A_48, %dma_start3A_54] : memref<10240x16xf32, #tpu.memory_space<vmem_shared>> -> memref<640x16xf32, #tpu.memory_space<vmem_shared>>
      tpu.enqueue_dma source(%dma_start3A_55 : memref<640x16xf32, #tpu.memory_space<vmem_shared>>) target(%dma_start3A_53 : memref<640x16xf32, #tpu.memory_space<hbm>>) target_semaphore(%run_scoped3A : memref<!tpu.dma_semaphore, #tpu.memory_space<semaphore_mem>>)
      %dma_wait3A_56 = arith.constant 0 : i32
      %dma_wait3A_57 = tpu.memref_slice %arg5[%arg0, %mul3A_50, %dma_wait3A_56] : memref<2x10240x16xf32, #tpu.memory_space<hbm>> -> memref<1x640x16xf32, #tpu.memory_space<hbm>>
      %dma_wait3A_58 = tpu.memref_squeeze %dma_wait3A_57 : memref<1x640x16xf32, #tpu.memory_space<hbm>> -> memref<640x16xf32, #tpu.memory_space<hbm>>
      %dma_wait3A_59 = arith.constant 0 : i32
      %dma_wait3A_60 = tpu.memref_slice %arg10[%mul3A_48, %dma_wait3A_59] : memref<10240x16xf32, #tpu.memory_space<vmem_shared>> -> memref<640x16xf32, #tpu.memory_space<vmem_shared>>
      tpu.wait_dma2 semaphore(%run_scoped3A : memref<!tpu.dma_semaphore, #tpu.memory_space<semaphore_mem>>) src(%dma_wait3A_60 : memref<640x16xf32, #tpu.memory_space<vmem_shared>>) dst(%dma_wait3A_58 : memref<640x16xf32, #tpu.memory_space<hbm>>)
      tpu.yield
    }) : () -> ()
    return
  }
}

#map = affine_map<(d0, d1) -> (0, 0)>
#map1 = affine_map<(d0, d1) -> (0, 0, 0)>
module attributes {stable_mosaic.version = 14 : i64} {
  func.func @agg_kernel(%arg0: i32, %arg1: i32, %arg2: memref<10000x48xf32, #tpu.memory_space<hbm>>, %arg3: memref<32x125x80xi32, #tpu.memory_space<hbm>>, %arg4: memref<32x125x80xi32, #tpu.memory_space<hbm>>, %arg5: memref<2x10240x48xf32, #tpu.memory_space<hbm>>, %arg6: memref<125x80xi32, #tpu.memory_space<vmem>>, %arg7: memref<125x80xi32, #tpu.memory_space<vmem>>, %arg8: memref<2x80x48xf32, #tpu.memory_space<vmem>>, %arg9: memref<640x48xf32, #tpu.memory_space<vmem>>, %arg10: memref<10240x48xf32, #tpu.memory_space<vmem_shared>>, %arg11: memref<10240x48xf32, #tpu.memory_space<vmem_shared>>, %arg12: memref<2x!tpu.dma_semaphore, #tpu.memory_space<semaphore_mem>>, %arg13: memref<2x!tpu.dma_semaphore, #tpu.memory_space<semaphore_mem>>) attributes {dimension_semantics = [#tpu.dimension_semantics<core_parallel>, #tpu.dimension_semantics<subcore_parallel>], iteration_bounds = array<i64: 2, 16>, scalar_prefetch = 0 : i64, scratch_operands = 8 : i64, tpu.core_type = #tpu.core_type<sc_vector_subcore>, window_params = [{transform_indices = #map}, {transform_indices = #map1}, {transform_indices = #map1}, {transform_indices = #map1}]} {
    %mul3A = arith.constant 2 : i32
    %mul3A_0 = arith.muli %arg1, %mul3A : i32
    %add3A = arith.addi %mul3A_0, %arg0 : i32
    %mul3A_1 = arith.constant 640 : i32
    %mul3A_2 = arith.muli %arg1, %mul3A_1 : i32
    %min3A = arith.constant 9360 : i32
    %min3A_3 = arith.minsi %mul3A_2, %min3A : i32
    "tpu.region"() ({
      %run_scoped3A = tpu.sem_alloc : memref<!tpu.dma_semaphore, #tpu.memory_space<semaphore_mem>>
      %dma_start3A_51 = arith.constant 0 : i32
      %dma_start3A_52 = tpu.memref_slice %arg11[%min3A_3, %dma_start3A_51] : memref<10240x48xf32, #tpu.memory_space<vmem_shared>> -> memref<640x48xf32, #tpu.memory_space<vmem_shared>>
      %dma_start3A_53 = arith.constant 0 : i32
      %dma_start3A_54 = tpu.memref_slice %arg2[%min3A_3, %dma_start3A_53] : memref<10000x48xf32, #tpu.memory_space<hbm>> -> memref<640x48xf32, #tpu.memory_space<hbm>>
      tpu.enqueue_dma source(%dma_start3A_54 : memref<640x48xf32, #tpu.memory_space<hbm>>) target(%dma_start3A_52 : memref<640x48xf32, #tpu.memory_space<vmem_shared>>) target_semaphore(%run_scoped3A : memref<!tpu.dma_semaphore, #tpu.memory_space<semaphore_mem>>)
      %dma_wait3A_55 = arith.constant 0 : i32
      %dma_wait3A_56 = tpu.memref_slice %arg11[%min3A_3, %dma_wait3A_55] : memref<10240x48xf32, #tpu.memory_space<vmem_shared>> -> memref<640x48xf32, #tpu.memory_space<vmem_shared>>
      %dma_wait3A_57 = arith.constant 0 : i32
      %dma_wait3A_58 = tpu.memref_slice %arg2[%min3A_3, %dma_wait3A_57] : memref<10000x48xf32, #tpu.memory_space<hbm>> -> memref<640x48xf32, #tpu.memory_space<hbm>>
      tpu.wait_dma2 semaphore(%run_scoped3A : memref<!tpu.dma_semaphore, #tpu.memory_space<semaphore_mem>>) src(%dma_wait3A_58 : memref<640x48xf32, #tpu.memory_space<hbm>>) dst(%dma_wait3A_56 : memref<640x48xf32, #tpu.memory_space<vmem_shared>>)
      tpu.yield
    }) : () -> ()
    %broadcast_in_dim3A = arith.constant 0.000000e+00 : f32
    %broadcast_in_dim3A_4 = vector.broadcast %broadcast_in_dim3A : f32 to vector<16xf32>
    %scan3A = arith.constant 0 : i32
    %scan3A_5 = arith.constant 0 : i32
    %scan3A_6 = arith.constant 640 : i32
    %scan3A_7 = arith.addi %scan3A_5, %scan3A_6 : i32
    %scan3A_8 = arith.constant 1 : i32
    scf.for %scan3A_51 = %scan3A_5 to %scan3A_7 step %scan3A_8  : i32 {
      %swap3A = arith.index_cast %scan3A_51 : i32 to index
      %swap3A_52 = arith.constant 0 : index
      %swap3A_53 = tpu.vector_load %arg9[%swap3A, %swap3A_52] {strides = array<i32>} : memref<640x48xf32, #tpu.memory_space<vmem>>, vector<1x16xf32>,
      %swap3A_54 = vector.shape_cast %swap3A_53 : vector<1x16xf32> to vector<16xf32>
      %swap3A_55 = vector.shape_cast %broadcast_in_dim3A_4 : vector<16xf32> to vector<1x16xf32>
      tpu.vector_store %arg9[%swap3A, %swap3A_52], %swap3A_55 {strides = array<i32>} : memref<640x48xf32, #tpu.memory_space<vmem>>, vector<1x16xf32>,
      %swap3A_56 = arith.index_cast %scan3A_51 : i32 to index
      %swap3A_57 = arith.constant 16 : index
      %swap3A_58 = tpu.vector_load %arg9[%swap3A_56, %swap3A_57] {strides = array<i32>} : memref<640x48xf32, #tpu.memory_space<vmem>>, vector<1x16xf32>,
      %swap3A_59 = vector.shape_cast %swap3A_58 : vector<1x16xf32> to vector<16xf32>
      %swap3A_60 = vector.shape_cast %broadcast_in_dim3A_4 : vector<16xf32> to vector<1x16xf32>
      tpu.vector_store %arg9[%swap3A_56, %swap3A_57], %swap3A_60 {strides = array<i32>} : memref<640x48xf32, #tpu.memory_space<vmem>>, vector<1x16xf32>,
      %swap3A_61 = arith.index_cast %scan3A_51 : i32 to index
      %swap3A_62 = arith.constant 32 : index
      %swap3A_63 = tpu.vector_load %arg9[%swap3A_61, %swap3A_62] {strides = array<i32>} : memref<640x48xf32, #tpu.memory_space<vmem>>, vector<1x16xf32>,
      %swap3A_64 = vector.shape_cast %swap3A_63 : vector<1x16xf32> to vector<16xf32>
      %swap3A_65 = vector.shape_cast %broadcast_in_dim3A_4 : vector<16xf32> to vector<1x16xf32>
      tpu.vector_store %arg9[%swap3A_61, %swap3A_62], %swap3A_65 {strides = array<i32>} : memref<640x48xf32, #tpu.memory_space<vmem>>, vector<1x16xf32>,
    }
    %scan3A_9 = arith.constant 640 : i32
    %mul3A_10 = arith.constant 640 : i32
    %mul3A_11 = arith.muli %arg1, %mul3A_10 : i32
    "tpu.region"() ({
      %run_scoped3A = tpu.sem_alloc : memref<!tpu.dma_semaphore, #tpu.memory_space<semaphore_mem>>
      %dma_start3A_51 = arith.constant 0 : i32
      %dma_start3A_52 = tpu.memref_slice %arg10[%mul3A_11, %dma_start3A_51] : memref<10240x48xf32, #tpu.memory_space<vmem_shared>> -> memref<640x48xf32, #tpu.memory_space<vmem_shared>>
      %dma_start3A_53 = arith.constant 0 : i32
      %dma_start3A_54 = tpu.memref_slice %arg10[%mul3A_11, %dma_start3A_53] : memref<10240x48xf32, #tpu.memory_space<vmem_shared>> -> memref<640x48xf32, #tpu.memory_space<vmem_shared>>
      tpu.enqueue_dma source(%arg9 : memref<640x48xf32, #tpu.memory_space<vmem>>) target(%dma_start3A_54 : memref<640x48xf32, #tpu.memory_space<vmem_shared>>) target_semaphore(%run_scoped3A : memref<!tpu.dma_semaphore, #tpu.memory_space<semaphore_mem>>)
      %dma_wait3A_55 = arith.constant 0 : i32
      %dma_wait3A_56 = tpu.memref_slice %arg10[%mul3A_11, %dma_wait3A_55] : memref<10240x48xf32, #tpu.memory_space<vmem_shared>> -> memref<640x48xf32, #tpu.memory_space<vmem_shared>>
      %dma_wait3A_57 = arith.constant 0 : i32
      %dma_wait3A_58 = tpu.memref_slice %arg10[%mul3A_11, %dma_wait3A_57] : memref<10240x48xf32, #tpu.memory_space<vmem_shared>> -> memref<640x48xf32, #tpu.memory_space<vmem_shared>>
      tpu.wait_dma2 semaphore(%run_scoped3A : memref<!tpu.dma_semaphore, #tpu.memory_space<semaphore_mem>>) src(%arg9 : memref<640x48xf32, #tpu.memory_space<vmem>>) dst(%dma_wait3A_58 : memref<640x48xf32, #tpu.memory_space<vmem_shared>>)
      tpu.yield
    }) : () -> ()
    "tpu.region"() ({
      %run_scoped3A = tpu.sem_alloc : memref<!tpu.dma_semaphore, #tpu.memory_space<semaphore_mem>>
      %dma_start3A_51 = arith.constant 0 : i32
      %dma_start3A_52 = arith.constant 0 : i32
      %dma_start3A_53 = tpu.memref_slice %arg3[%add3A, %dma_start3A_51, %dma_start3A_52] : memref<32x125x80xi32, #tpu.memory_space<hbm>> -> memref<1x125x80xi32, #tpu.memory_space<hbm>>
      %dma_start3A_54 = tpu.memref_squeeze %dma_start3A_53 : memref<1x125x80xi32, #tpu.memory_space<hbm>> -> memref<125x80xi32, #tpu.memory_space<hbm>>
      %dma_start3A_55 = arith.constant 0 : i32
      %dma_start3A_56 = arith.constant 0 : i32
      %dma_start3A_57 = tpu.memref_slice %arg3[%add3A, %dma_start3A_55, %dma_start3A_56] : memref<32x125x80xi32, #tpu.memory_space<hbm>> -> memref<1x125x80xi32, #tpu.memory_space<hbm>>
      %dma_start3A_58 = tpu.memref_squeeze %dma_start3A_57 : memref<1x125x80xi32, #tpu.memory_space<hbm>> -> memref<125x80xi32, #tpu.memory_space<hbm>>
      tpu.enqueue_dma source(%dma_start3A_58 : memref<125x80xi32, #tpu.memory_space<hbm>>) target(%arg6 : memref<125x80xi32, #tpu.memory_space<vmem>>) target_semaphore(%run_scoped3A : memref<!tpu.dma_semaphore, #tpu.memory_space<semaphore_mem>>)
      %dma_wait3A_59 = arith.constant 0 : i32
      %dma_wait3A_60 = arith.constant 0 : i32
      %dma_wait3A_61 = tpu.memref_slice %arg3[%add3A, %dma_wait3A_59, %dma_wait3A_60] : memref<32x125x80xi32, #tpu.memory_space<hbm>> -> memref<1x125x80xi32, #tpu.memory_space<hbm>>
      %dma_wait3A_62 = tpu.memref_squeeze %dma_wait3A_61 : memref<1x125x80xi32, #tpu.memory_space<hbm>> -> memref<125x80xi32, #tpu.memory_space<hbm>>
      %dma_wait3A_63 = arith.constant 0 : i32
      %dma_wait3A_64 = arith.constant 0 : i32
      %dma_wait3A_65 = tpu.memref_slice %arg3[%add3A, %dma_wait3A_63, %dma_wait3A_64] : memref<32x125x80xi32, #tpu.memory_space<hbm>> -> memref<1x125x80xi32, #tpu.memory_space<hbm>>
      %dma_wait3A_66 = tpu.memref_squeeze %dma_wait3A_65 : memref<1x125x80xi32, #tpu.memory_space<hbm>> -> memref<125x80xi32, #tpu.memory_space<hbm>>
      tpu.wait_dma2 semaphore(%run_scoped3A : memref<!tpu.dma_semaphore, #tpu.memory_space<semaphore_mem>>) src(%dma_wait3A_66 : memref<125x80xi32, #tpu.memory_space<hbm>>) dst(%arg6 : memref<125x80xi32, #tpu.memory_space<vmem>>)
      tpu.yield
    }) : () -> ()
    "tpu.region"() ({
      %run_scoped3A = tpu.sem_alloc : memref<!tpu.dma_semaphore, #tpu.memory_space<semaphore_mem>>
      %dma_start3A_51 = arith.constant 0 : i32
      %dma_start3A_52 = arith.constant 0 : i32
      %dma_start3A_53 = tpu.memref_slice %arg4[%add3A, %dma_start3A_51, %dma_start3A_52] : memref<32x125x80xi32, #tpu.memory_space<hbm>> -> memref<1x125x80xi32, #tpu.memory_space<hbm>>
      %dma_start3A_54 = tpu.memref_squeeze %dma_start3A_53 : memref<1x125x80xi32, #tpu.memory_space<hbm>> -> memref<125x80xi32, #tpu.memory_space<hbm>>
      %dma_start3A_55 = arith.constant 0 : i32
      %dma_start3A_56 = arith.constant 0 : i32
      %dma_start3A_57 = tpu.memref_slice %arg4[%add3A, %dma_start3A_55, %dma_start3A_56] : memref<32x125x80xi32, #tpu.memory_space<hbm>> -> memref<1x125x80xi32, #tpu.memory_space<hbm>>
      %dma_start3A_58 = tpu.memref_squeeze %dma_start3A_57 : memref<1x125x80xi32, #tpu.memory_space<hbm>> -> memref<125x80xi32, #tpu.memory_space<hbm>>
      tpu.enqueue_dma source(%dma_start3A_58 : memref<125x80xi32, #tpu.memory_space<hbm>>) target(%arg7 : memref<125x80xi32, #tpu.memory_space<vmem>>) target_semaphore(%run_scoped3A : memref<!tpu.dma_semaphore, #tpu.memory_space<semaphore_mem>>)
      %dma_wait3A_59 = arith.constant 0 : i32
      %dma_wait3A_60 = arith.constant 0 : i32
      %dma_wait3A_61 = tpu.memref_slice %arg4[%add3A, %dma_wait3A_59, %dma_wait3A_60] : memref<32x125x80xi32, #tpu.memory_space<hbm>> -> memref<1x125x80xi32, #tpu.memory_space<hbm>>
      %dma_wait3A_62 = tpu.memref_squeeze %dma_wait3A_61 : memref<1x125x80xi32, #tpu.memory_space<hbm>> -> memref<125x80xi32, #tpu.memory_space<hbm>>
      %dma_wait3A_63 = arith.constant 0 : i32
      %dma_wait3A_64 = arith.constant 0 : i32
      %dma_wait3A_65 = tpu.memref_slice %arg4[%add3A, %dma_wait3A_63, %dma_wait3A_64] : memref<32x125x80xi32, #tpu.memory_space<hbm>> -> memref<1x125x80xi32, #tpu.memory_space<hbm>>
      %dma_wait3A_66 = tpu.memref_squeeze %dma_wait3A_65 : memref<1x125x80xi32, #tpu.memory_space<hbm>> -> memref<125x80xi32, #tpu.memory_space<hbm>>
      tpu.wait_dma2 semaphore(%run_scoped3A : memref<!tpu.dma_semaphore, #tpu.memory_space<semaphore_mem>>) src(%dma_wait3A_66 : memref<125x80xi32, #tpu.memory_space<hbm>>) dst(%arg7 : memref<125x80xi32, #tpu.memory_space<vmem>>)
      tpu.yield
    }) : () -> ()
    %barrier3A = arith.constant 0 : index
    tpu.barrier barrier_id(%barrier3A)
    %dma_start3A = arith.constant 0 : i32
    %dma_start3A_12 = arith.constant 0 : i32
    %dma_start3A_13 = arith.constant 0 : i32
    %dma_start3A_14 = arith.constant 0 : i32
    %dma_start3A_15 = arith.constant 0 : i32
    %dma_start3A_16 = tpu.memref_slice %arg8[%dma_start3A_12, %dma_start3A_14, %dma_start3A_15] : memref<2x80x48xf32, #tpu.memory_space<vmem>> -> memref<1x80x48xf32, #tpu.memory_space<vmem>>
    %dma_start3A_17 = tpu.memref_squeeze %dma_start3A_16 : memref<1x80x48xf32, #tpu.memory_space<vmem>> -> memref<80x48xf32, #tpu.memory_space<vmem>>
    %dma_start3A_18 = arith.constant 0 : i32
    %dma_start3A_19 = tpu.memref_slice %arg6[%dma_start3A, %dma_start3A_18] : memref<125x80xi32, #tpu.memory_space<vmem>> -> memref<1x80xi32, #tpu.memory_space<vmem>>
    %dma_start3A_20 = tpu.memref_squeeze %dma_start3A_19 : memref<1x80xi32, #tpu.memory_space<vmem>> -> memref<80xi32, #tpu.memory_space<vmem>>
    %dma_start3A_21 = arith.constant 0 : i32
    %dma_start3A_22 = arith.constant 0 : i32
    %dma_start3A_23 = tpu.memref_slice %arg11[%dma_start3A_21, %dma_start3A_22] : memref<10240x48xf32, #tpu.memory_space<vmem_shared>> -> memref<10240x48xf32, #tpu.memory_space<vmem_shared>>
    %dma_start3A_24 = tpu.memref_slice %arg12[%dma_start3A_13] : memref<2x!tpu.dma_semaphore, #tpu.memory_space<semaphore_mem>> -> memref<1x!tpu.dma_semaphore, #tpu.memory_space<semaphore_mem>>
    %dma_start3A_25 = tpu.memref_squeeze %dma_start3A_24 : memref<1x!tpu.dma_semaphore, #tpu.memory_space<semaphore_mem>> -> memref<!tpu.dma_semaphore, #tpu.memory_space<semaphore_mem>>
    tpu.enqueue_indirect_dma source(%dma_start3A_23 : memref<10240x48xf32, #tpu.memory_space<vmem_shared>>) target(%dma_start3A_17 : memref<80x48xf32, #tpu.memory_space<vmem>>) offsets(%dma_start3A_20 : memref<80xi32, #tpu.memory_space<vmem>>) semaphore(%dma_start3A_25 : memref<!tpu.dma_semaphore, #tpu.memory_space<semaphore_mem>>)
    %scan3A_26 = arith.constant 0 : i32
    %scan3A_27 = arith.constant 0 : i32
    %scan3A_28 = arith.constant 125 : i32
    %scan3A_29 = arith.addi %scan3A_27, %scan3A_28 : i32
    %scan3A_30 = arith.constant 1 : i32
    scf.for %scan3A_51 = %scan3A_27 to %scan3A_29 step %scan3A_30  : i32 {
      %rem3A = arith.constant 2 : i32
      %rem3A_52 = arith.remsi %scan3A_51, %rem3A : i32
      %add3A_53 = arith.constant 1 : i32
      %add3A_54 = arith.addi %scan3A_51, %add3A_53 : i32
      %rem3A_55 = arith.constant 2 : i32
      %rem3A_56 = arith.remsi %add3A_54, %rem3A_55 : i32
      %dma_wait3A_57 = arith.constant 0 : i32
      %dma_wait3A_58 = arith.constant 0 : i32
      %dma_wait3A_59 = tpu.memref_slice %arg8[%rem3A_52, %dma_wait3A_57, %dma_wait3A_58] : memref<2x80x48xf32, #tpu.memory_space<vmem>> -> memref<1x80x48xf32, #tpu.memory_space<vmem>>
      %dma_wait3A_60 = tpu.memref_squeeze %dma_wait3A_59 : memref<1x80x48xf32, #tpu.memory_space<vmem>> -> memref<80x48xf32, #tpu.memory_space<vmem>>
      %dma_wait3A_61 = arith.constant 0 : i32
      %dma_wait3A_62 = tpu.memref_slice %arg6[%scan3A_51, %dma_wait3A_61] : memref<125x80xi32, #tpu.memory_space<vmem>> -> memref<1x80xi32, #tpu.memory_space<vmem>>
      %dma_wait3A_63 = tpu.memref_squeeze %dma_wait3A_62 : memref<1x80xi32, #tpu.memory_space<vmem>> -> memref<80xi32, #tpu.memory_space<vmem>>
      %dma_wait3A_64 = arith.constant 0 : i32
      %dma_wait3A_65 = arith.constant 0 : i32
      %dma_wait3A_66 = tpu.memref_slice %arg11[%dma_wait3A_64, %dma_wait3A_65] : memref<10240x48xf32, #tpu.memory_space<vmem_shared>> -> memref<10240x48xf32, #tpu.memory_space<vmem_shared>>
      %dma_wait3A_67 = tpu.memref_slice %arg12[%rem3A_52] : memref<2x!tpu.dma_semaphore, #tpu.memory_space<semaphore_mem>> -> memref<1x!tpu.dma_semaphore, #tpu.memory_space<semaphore_mem>>
      %dma_wait3A_68 = tpu.memref_squeeze %dma_wait3A_67 : memref<1x!tpu.dma_semaphore, #tpu.memory_space<semaphore_mem>> -> memref<!tpu.dma_semaphore, #tpu.memory_space<semaphore_mem>>
      tpu.wait_indirect_dma semaphore(%dma_wait3A_68 : memref<!tpu.dma_semaphore, #tpu.memory_space<semaphore_mem>>) src(%dma_wait3A_66 : memref<10240x48xf32, #tpu.memory_space<vmem_shared>>) dst(%dma_wait3A_60 : memref<80x48xf32, #tpu.memory_space<vmem>>)
      %gt3A = arith.constant 0 : i32
      %gt3A_69 = arith.cmpi sgt, %scan3A_51, %gt3A : i32
      %convert_element_type3A = arith.extui %gt3A_69 : i1 to i32
      %cond3A = arith.constant 0 : i32
      %cond3A_70 = arith.cmpi ne, %convert_element_type3A, %cond3A : i32
      scf.if %cond3A_70 {
        %sub3A = arith.constant 1 : i32
        %sub3A_87 = arith.subi %scan3A_51, %sub3A : i32
        %dma_wait3A_88 = arith.constant 0 : i32
        %dma_wait3A_89 = arith.constant 0 : i32
        %dma_wait3A_90 = tpu.memref_slice %arg8[%rem3A_56, %dma_wait3A_88, %dma_wait3A_89] : memref<2x80x48xf32, #tpu.memory_space<vmem>> -> memref<1x80x48xf32, #tpu.memory_space<vmem>>
        %dma_wait3A_91 = tpu.memref_squeeze %dma_wait3A_90 : memref<1x80x48xf32, #tpu.memory_space<vmem>> -> memref<80x48xf32, #tpu.memory_space<vmem>>
        %dma_wait3A_92 = arith.constant 0 : i32
        %dma_wait3A_93 = tpu.memref_slice %arg7[%sub3A_87, %dma_wait3A_92] : memref<125x80xi32, #tpu.memory_space<vmem>> -> memref<1x80xi32, #tpu.memory_space<vmem>>
        %dma_wait3A_94 = tpu.memref_squeeze %dma_wait3A_93 : memref<1x80xi32, #tpu.memory_space<vmem>> -> memref<80xi32, #tpu.memory_space<vmem>>
        %dma_wait3A_95 = arith.constant 0 : i32
        %dma_wait3A_96 = arith.constant 0 : i32
        %dma_wait3A_97 = tpu.memref_slice %arg10[%dma_wait3A_95, %dma_wait3A_96] : memref<10240x48xf32, #tpu.memory_space<vmem_shared>> -> memref<10240x48xf32, #tpu.memory_space<vmem_shared>>
        %dma_wait3A_98 = tpu.memref_slice %arg13[%rem3A_56] : memref<2x!tpu.dma_semaphore, #tpu.memory_space<semaphore_mem>> -> memref<1x!tpu.dma_semaphore, #tpu.memory_space<semaphore_mem>>
        %dma_wait3A_99 = tpu.memref_squeeze %dma_wait3A_98 : memref<1x!tpu.dma_semaphore, #tpu.memory_space<semaphore_mem>> -> memref<!tpu.dma_semaphore, #tpu.memory_space<semaphore_mem>>
        tpu.wait_indirect_dma semaphore(%dma_wait3A_99 : memref<!tpu.dma_semaphore, #tpu.memory_space<semaphore_mem>>) src(%dma_wait3A_91 : memref<80x48xf32, #tpu.memory_space<vmem>>) dst(%dma_wait3A_97 : memref<10240x48xf32, #tpu.memory_space<vmem_shared>>)
      } else {
      }
      %lt3A = arith.constant 124 : i32
      %lt3A_71 = arith.cmpi slt, %scan3A_51, %lt3A : i32
      %convert_element_type3A_72 = arith.extui %lt3A_71 : i1 to i32
      %cond3A_73 = arith.constant 0 : i32
      %cond3A_74 = arith.cmpi ne, %convert_element_type3A_72, %cond3A_73 : i32
      scf.if %cond3A_74 {
        %add3A_87 = arith.constant 1 : i32
        %add3A_88 = arith.addi %scan3A_51, %add3A_87 : i32
        %dma_start3A_89 = arith.constant 0 : i32
        %dma_start3A_90 = arith.constant 0 : i32
        %dma_start3A_91 = tpu.memref_slice %arg8[%rem3A_56, %dma_start3A_89, %dma_start3A_90] : memref<2x80x48xf32, #tpu.memory_space<vmem>> -> memref<1x80x48xf32, #tpu.memory_space<vmem>>
        %dma_start3A_92 = tpu.memref_squeeze %dma_start3A_91 : memref<1x80x48xf32, #tpu.memory_space<vmem>> -> memref<80x48xf32, #tpu.memory_space<vmem>>
        %dma_start3A_93 = arith.constant 0 : i32
        %dma_start3A_94 = tpu.memref_slice %arg6[%add3A_88, %dma_start3A_93] : memref<125x80xi32, #tpu.memory_space<vmem>> -> memref<1x80xi32, #tpu.memory_space<vmem>>
        %dma_start3A_95 = tpu.memref_squeeze %dma_start3A_94 : memref<1x80xi32, #tpu.memory_space<vmem>> -> memref<80xi32, #tpu.memory_space<vmem>>
        %dma_start3A_96 = arith.constant 0 : i32
        %dma_start3A_97 = arith.constant 0 : i32
        %dma_start3A_98 = tpu.memref_slice %arg11[%dma_start3A_96, %dma_start3A_97] : memref<10240x48xf32, #tpu.memory_space<vmem_shared>> -> memref<10240x48xf32, #tpu.memory_space<vmem_shared>>
        %dma_start3A_99 = tpu.memref_slice %arg12[%rem3A_56] : memref<2x!tpu.dma_semaphore, #tpu.memory_space<semaphore_mem>> -> memref<1x!tpu.dma_semaphore, #tpu.memory_space<semaphore_mem>>
        %dma_start3A_100 = tpu.memref_squeeze %dma_start3A_99 : memref<1x!tpu.dma_semaphore, #tpu.memory_space<semaphore_mem>> -> memref<!tpu.dma_semaphore, #tpu.memory_space<semaphore_mem>>
        tpu.enqueue_indirect_dma source(%dma_start3A_98 : memref<10240x48xf32, #tpu.memory_space<vmem_shared>>) target(%dma_start3A_92 : memref<80x48xf32, #tpu.memory_space<vmem>>) offsets(%dma_start3A_95 : memref<80xi32, #tpu.memory_space<vmem>>) semaphore(%dma_start3A_100 : memref<!tpu.dma_semaphore, #tpu.memory_space<semaphore_mem>>)
      } else {
      }
      %dma_start3A_75 = arith.constant 0 : i32
      %dma_start3A_76 = arith.constant 0 : i32
      %dma_start3A_77 = tpu.memref_slice %arg8[%rem3A_52, %dma_start3A_75, %dma_start3A_76] : memref<2x80x48xf32, #tpu.memory_space<vmem>> -> memref<1x80x48xf32, #tpu.memory_space<vmem>>
      %dma_start3A_78 = tpu.memref_squeeze %dma_start3A_77 : memref<1x80x48xf32, #tpu.memory_space<vmem>> -> memref<80x48xf32, #tpu.memory_space<vmem>>
      %dma_start3A_79 = arith.constant 0 : i32
      %dma_start3A_80 = tpu.memref_slice %arg7[%scan3A_51, %dma_start3A_79] : memref<125x80xi32, #tpu.memory_space<vmem>> -> memref<1x80xi32, #tpu.memory_space<vmem>>
      %dma_start3A_81 = tpu.memref_squeeze %dma_start3A_80 : memref<1x80xi32, #tpu.memory_space<vmem>> -> memref<80xi32, #tpu.memory_space<vmem>>
      %dma_start3A_82 = arith.constant 0 : i32
      %dma_start3A_83 = arith.constant 0 : i32
      %dma_start3A_84 = tpu.memref_slice %arg10[%dma_start3A_82, %dma_start3A_83] : memref<10240x48xf32, #tpu.memory_space<vmem_shared>> -> memref<10240x48xf32, #tpu.memory_space<vmem_shared>>
      %dma_start3A_85 = tpu.memref_slice %arg13[%rem3A_52] : memref<2x!tpu.dma_semaphore, #tpu.memory_space<semaphore_mem>> -> memref<1x!tpu.dma_semaphore, #tpu.memory_space<semaphore_mem>>
      %dma_start3A_86 = tpu.memref_squeeze %dma_start3A_85 : memref<1x!tpu.dma_semaphore, #tpu.memory_space<semaphore_mem>> -> memref<!tpu.dma_semaphore, #tpu.memory_space<semaphore_mem>>
      tpu.enqueue_indirect_dma source(%dma_start3A_78 : memref<80x48xf32, #tpu.memory_space<vmem>>) target(%dma_start3A_84 : memref<10240x48xf32, #tpu.memory_space<vmem_shared>>) offsets(%dma_start3A_81 : memref<80xi32, #tpu.memory_space<vmem>>) semaphore(%dma_start3A_86 : memref<!tpu.dma_semaphore, #tpu.memory_space<semaphore_mem>>) {add = true}
    }
    %scan3A_31 = arith.constant 125 : i32
    %dma_wait3A = arith.constant 0 : i32
    %dma_wait3A_32 = arith.constant 124 : i32
    %dma_wait3A_33 = arith.constant 0 : i32
    %dma_wait3A_34 = arith.constant 0 : i32
    %dma_wait3A_35 = arith.constant 0 : i32
    %dma_wait3A_36 = tpu.memref_slice %arg8[%dma_wait3A, %dma_wait3A_34, %dma_wait3A_35] : memref<2x80x48xf32, #tpu.memory_space<vmem>> -> memref<1x80x48xf32, #tpu.memory_space<vmem>>
    %dma_wait3A_37 = tpu.memref_squeeze %dma_wait3A_36 : memref<1x80x48xf32, #tpu.memory_space<vmem>> -> memref<80x48xf32, #tpu.memory_space<vmem>>
    %dma_wait3A_38 = arith.constant 0 : i32
    %dma_wait3A_39 = tpu.memref_slice %arg7[%dma_wait3A_32, %dma_wait3A_38] : memref<125x80xi32, #tpu.memory_space<vmem>> -> memref<1x80xi32, #tpu.memory_space<vmem>>
    %dma_wait3A_40 = tpu.memref_squeeze %dma_wait3A_39 : memref<1x80xi32, #tpu.memory_space<vmem>> -> memref<80xi32, #tpu.memory_space<vmem>>
    %dma_wait3A_41 = arith.constant 0 : i32
    %dma_wait3A_42 = arith.constant 0 : i32
    %dma_wait3A_43 = tpu.memref_slice %arg10[%dma_wait3A_41, %dma_wait3A_42] : memref<10240x48xf32, #tpu.memory_space<vmem_shared>> -> memref<10240x48xf32, #tpu.memory_space<vmem_shared>>
    %dma_wait3A_44 = tpu.memref_slice %arg13[%dma_wait3A_33] : memref<2x!tpu.dma_semaphore, #tpu.memory_space<semaphore_mem>> -> memref<1x!tpu.dma_semaphore, #tpu.memory_space<semaphore_mem>>
    %dma_wait3A_45 = tpu.memref_squeeze %dma_wait3A_44 : memref<1x!tpu.dma_semaphore, #tpu.memory_space<semaphore_mem>> -> memref<!tpu.dma_semaphore, #tpu.memory_space<semaphore_mem>>
    tpu.wait_indirect_dma semaphore(%dma_wait3A_45 : memref<!tpu.dma_semaphore, #tpu.memory_space<semaphore_mem>>) src(%dma_wait3A_37 : memref<80x48xf32, #tpu.memory_space<vmem>>) dst(%dma_wait3A_43 : memref<10240x48xf32, #tpu.memory_space<vmem_shared>>)
    %barrier3A_46 = arith.constant 0 : index
    tpu.barrier barrier_id(%barrier3A_46)
    %mul3A_47 = arith.constant 640 : i32
    %mul3A_48 = arith.muli %arg1, %mul3A_47 : i32
    %mul3A_49 = arith.constant 640 : i32
    %mul3A_50 = arith.muli %arg1, %mul3A_49 : i32
    "tpu.region"() ({
      %run_scoped3A = tpu.sem_alloc : memref<!tpu.dma_semaphore, #tpu.memory_space<semaphore_mem>>
      %dma_start3A_51 = arith.constant 0 : i32
      %dma_start3A_52 = tpu.memref_slice %arg5[%arg0, %mul3A_50, %dma_start3A_51] : memref<2x10240x48xf32, #tpu.memory_space<hbm>> -> memref<1x640x48xf32, #tpu.memory_space<hbm>>
      %dma_start3A_53 = tpu.memref_squeeze %dma_start3A_52 : memref<1x640x48xf32, #tpu.memory_space<hbm>> -> memref<640x48xf32, #tpu.memory_space<hbm>>
      %dma_start3A_54 = arith.constant 0 : i32
      %dma_start3A_55 = tpu.memref_slice %arg10[%mul3A_48, %dma_start3A_54] : memref<10240x48xf32, #tpu.memory_space<vmem_shared>> -> memref<640x48xf32, #tpu.memory_space<vmem_shared>>
      tpu.enqueue_dma source(%dma_start3A_55 : memref<640x48xf32, #tpu.memory_space<vmem_shared>>) target(%dma_start3A_53 : memref<640x48xf32, #tpu.memory_space<hbm>>) target_semaphore(%run_scoped3A : memref<!tpu.dma_semaphore, #tpu.memory_space<semaphore_mem>>)
      %dma_wait3A_56 = arith.constant 0 : i32
      %dma_wait3A_57 = tpu.memref_slice %arg5[%arg0, %mul3A_50, %dma_wait3A_56] : memref<2x10240x48xf32, #tpu.memory_space<hbm>> -> memref<1x640x48xf32, #tpu.memory_space<hbm>>
      %dma_wait3A_58 = tpu.memref_squeeze %dma_wait3A_57 : memref<1x640x48xf32, #tpu.memory_space<hbm>> -> memref<640x48xf32, #tpu.memory_space<hbm>>
      %dma_wait3A_59 = arith.constant 0 : i32
      %dma_wait3A_60 = tpu.memref_slice %arg10[%mul3A_48, %dma_wait3A_59] : memref<10240x48xf32, #tpu.memory_space<vmem_shared>> -> memref<640x48xf32, #tpu.memory_space<vmem_shared>>
      tpu.wait_dma2 semaphore(%run_scoped3A : memref<!tpu.dma_semaphore, #tpu.memory_space<semaphore_mem>>) src(%dma_wait3A_60 : memref<640x48xf32, #tpu.memory_space<vmem_shared>>) dst(%dma_wait3A_58 : memref<640x48xf32, #tpu.memory_space<hbm>>)
      tpu.yield
    }) : () -> ()
    return
  }
}

#map = affine_map<(d0, d1) -> (0, 0, 0)>
module attributes {stable_mosaic.version = 14 : i64} {
  func.func @deg_kernel(%arg0: i32, %arg1: i32, %arg2: memref<32x125x80xi32, #tpu.memory_space<hbm>>, %arg3: memref<2x10240x16xf32, #tpu.memory_space<hbm>>, %arg4: memref<125x80xi32, #tpu.memory_space<vmem>>, %arg5: memref<80x16xf32, #tpu.memory_space<vmem>>, %arg6: memref<640x16xf32, #tpu.memory_space<vmem>>, %arg7: memref<10240x16xf32, #tpu.memory_space<vmem_shared>>) attributes {dimension_semantics = [#tpu.dimension_semantics<core_parallel>, #tpu.dimension_semantics<subcore_parallel>], iteration_bounds = array<i64: 2, 16>, scalar_prefetch = 0 : i64, scratch_operands = 4 : i64, tpu.core_type = #tpu.core_type<sc_vector_subcore>, window_params = [{transform_indices = #map}, {transform_indices = #map}]} {
    %mul3A = arith.constant 2 : i32
    %mul3A_0 = arith.muli %arg1, %mul3A : i32
    %add3A = arith.addi %mul3A_0, %arg0 : i32
    %broadcast_in_dim3A = arith.constant 0.000000e+00 : f32
    %broadcast_in_dim3A_1 = vector.broadcast %broadcast_in_dim3A : f32 to vector<16xf32>
    %scan3A = arith.constant 0 : i32
    %scan3A_2 = arith.constant 0 : i32
    %scan3A_3 = arith.constant 640 : i32
    %scan3A_4 = arith.addi %scan3A_2, %scan3A_3 : i32
    %scan3A_5 = arith.constant 1 : i32
    scf.for %scan3A_28 = %scan3A_2 to %scan3A_4 step %scan3A_5  : i32 {
      %swap3A = arith.index_cast %scan3A_28 : i32 to index
      %swap3A_29 = arith.constant 0 : index
      %swap3A_30 = tpu.vector_load %arg6[%swap3A, %swap3A_29] {strides = array<i32>} : memref<640x16xf32, #tpu.memory_space<vmem>>, vector<1x16xf32>,
      %swap3A_31 = vector.shape_cast %swap3A_30 : vector<1x16xf32> to vector<16xf32>
      %swap3A_32 = vector.shape_cast %broadcast_in_dim3A_1 : vector<16xf32> to vector<1x16xf32>
      tpu.vector_store %arg6[%swap3A, %swap3A_29], %swap3A_32 {strides = array<i32>} : memref<640x16xf32, #tpu.memory_space<vmem>>, vector<1x16xf32>,
    }
    %scan3A_6 = arith.constant 640 : i32
    %broadcast_in_dim3A_7 = arith.constant 1.000000e+00 : f32
    %broadcast_in_dim3A_8 = vector.broadcast %broadcast_in_dim3A_7 : f32 to vector<16xf32>
    %scan3A_9 = arith.constant 0 : i32
    %scan3A_10 = arith.constant 0 : i32
    %scan3A_11 = arith.constant 80 : i32
    %scan3A_12 = arith.addi %scan3A_10, %scan3A_11 : i32
    %scan3A_13 = arith.constant 1 : i32
    scf.for %scan3A_28 = %scan3A_10 to %scan3A_12 step %scan3A_13  : i32 {
      %swap3A = arith.index_cast %scan3A_28 : i32 to index
      %swap3A_29 = arith.constant 0 : index
      %swap3A_30 = tpu.vector_load %arg5[%swap3A, %swap3A_29] {strides = array<i32>} : memref<80x16xf32, #tpu.memory_space<vmem>>, vector<1x16xf32>,
      %swap3A_31 = vector.shape_cast %swap3A_30 : vector<1x16xf32> to vector<16xf32>
      %swap3A_32 = vector.shape_cast %broadcast_in_dim3A_8 : vector<16xf32> to vector<1x16xf32>
      tpu.vector_store %arg5[%swap3A, %swap3A_29], %swap3A_32 {strides = array<i32>} : memref<80x16xf32, #tpu.memory_space<vmem>>, vector<1x16xf32>,
    }
    %scan3A_14 = arith.constant 80 : i32
    %mul3A_15 = arith.constant 640 : i32
    %mul3A_16 = arith.muli %arg1, %mul3A_15 : i32
    "tpu.region"() ({
      %run_scoped3A = tpu.sem_alloc : memref<!tpu.dma_semaphore, #tpu.memory_space<semaphore_mem>>
      %dma_start3A = arith.constant 0 : i32
      %dma_start3A_28 = tpu.memref_slice %arg7[%mul3A_16, %dma_start3A] : memref<10240x16xf32, #tpu.memory_space<vmem_shared>> -> memref<640x16xf32, #tpu.memory_space<vmem_shared>>
      %dma_start3A_29 = arith.constant 0 : i32
      %dma_start3A_30 = tpu.memref_slice %arg7[%mul3A_16, %dma_start3A_29] : memref<10240x16xf32, #tpu.memory_space<vmem_shared>> -> memref<640x16xf32, #tpu.memory_space<vmem_shared>>
      tpu.enqueue_dma source(%arg6 : memref<640x16xf32, #tpu.memory_space<vmem>>) target(%dma_start3A_30 : memref<640x16xf32, #tpu.memory_space<vmem_shared>>) target_semaphore(%run_scoped3A : memref<!tpu.dma_semaphore, #tpu.memory_space<semaphore_mem>>)
      %dma_wait3A = arith.constant 0 : i32
      %dma_wait3A_31 = tpu.memref_slice %arg7[%mul3A_16, %dma_wait3A] : memref<10240x16xf32, #tpu.memory_space<vmem_shared>> -> memref<640x16xf32, #tpu.memory_space<vmem_shared>>
      %dma_wait3A_32 = arith.constant 0 : i32
      %dma_wait3A_33 = tpu.memref_slice %arg7[%mul3A_16, %dma_wait3A_32] : memref<10240x16xf32, #tpu.memory_space<vmem_shared>> -> memref<640x16xf32, #tpu.memory_space<vmem_shared>>
      tpu.wait_dma2 semaphore(%run_scoped3A : memref<!tpu.dma_semaphore, #tpu.memory_space<semaphore_mem>>) src(%arg6 : memref<640x16xf32, #tpu.memory_space<vmem>>) dst(%dma_wait3A_33 : memref<640x16xf32, #tpu.memory_space<vmem_shared>>)
      tpu.yield
    }) : () -> ()
    "tpu.region"() ({
      %run_scoped3A = tpu.sem_alloc : memref<!tpu.dma_semaphore, #tpu.memory_space<semaphore_mem>>
      %dma_start3A = arith.constant 0 : i32
      %dma_start3A_28 = arith.constant 0 : i32
      %dma_start3A_29 = tpu.memref_slice %arg2[%add3A, %dma_start3A, %dma_start3A_28] : memref<32x125x80xi32, #tpu.memory_space<hbm>> -> memref<1x125x80xi32, #tpu.memory_space<hbm>>
      %dma_start3A_30 = tpu.memref_squeeze %dma_start3A_29 : memref<1x125x80xi32, #tpu.memory_space<hbm>> -> memref<125x80xi32, #tpu.memory_space<hbm>>
      %dma_start3A_31 = arith.constant 0 : i32
      %dma_start3A_32 = arith.constant 0 : i32
      %dma_start3A_33 = tpu.memref_slice %arg2[%add3A, %dma_start3A_31, %dma_start3A_32] : memref<32x125x80xi32, #tpu.memory_space<hbm>> -> memref<1x125x80xi32, #tpu.memory_space<hbm>>
      %dma_start3A_34 = tpu.memref_squeeze %dma_start3A_33 : memref<1x125x80xi32, #tpu.memory_space<hbm>> -> memref<125x80xi32, #tpu.memory_space<hbm>>
      tpu.enqueue_dma source(%dma_start3A_34 : memref<125x80xi32, #tpu.memory_space<hbm>>) target(%arg4 : memref<125x80xi32, #tpu.memory_space<vmem>>) target_semaphore(%run_scoped3A : memref<!tpu.dma_semaphore, #tpu.memory_space<semaphore_mem>>)
      %dma_wait3A = arith.constant 0 : i32
      %dma_wait3A_35 = arith.constant 0 : i32
      %dma_wait3A_36 = tpu.memref_slice %arg2[%add3A, %dma_wait3A, %dma_wait3A_35] : memref<32x125x80xi32, #tpu.memory_space<hbm>> -> memref<1x125x80xi32, #tpu.memory_space<hbm>>
      %dma_wait3A_37 = tpu.memref_squeeze %dma_wait3A_36 : memref<1x125x80xi32, #tpu.memory_space<hbm>> -> memref<125x80xi32, #tpu.memory_space<hbm>>
      %dma_wait3A_38 = arith.constant 0 : i32
      %dma_wait3A_39 = arith.constant 0 : i32
      %dma_wait3A_40 = tpu.memref_slice %arg2[%add3A, %dma_wait3A_38, %dma_wait3A_39] : memref<32x125x80xi32, #tpu.memory_space<hbm>> -> memref<1x125x80xi32, #tpu.memory_space<hbm>>
      %dma_wait3A_41 = tpu.memref_squeeze %dma_wait3A_40 : memref<1x125x80xi32, #tpu.memory_space<hbm>> -> memref<125x80xi32, #tpu.memory_space<hbm>>
      tpu.wait_dma2 semaphore(%run_scoped3A : memref<!tpu.dma_semaphore, #tpu.memory_space<semaphore_mem>>) src(%dma_wait3A_41 : memref<125x80xi32, #tpu.memory_space<hbm>>) dst(%arg4 : memref<125x80xi32, #tpu.memory_space<vmem>>)
      tpu.yield
    }) : () -> ()
    %barrier3A = arith.constant 0 : index
    tpu.barrier barrier_id(%barrier3A)
    %scan3A_17 = arith.constant 0 : i32
    %scan3A_18 = arith.constant 0 : i32
    %scan3A_19 = arith.constant 125 : i32
    %scan3A_20 = arith.addi %scan3A_18, %scan3A_19 : i32
    %scan3A_21 = arith.constant 1 : i32
    scf.for %scan3A_28 = %scan3A_18 to %scan3A_20 step %scan3A_21  : i32 {
      "tpu.region"() ({
        %run_scoped3A = tpu.sem_alloc : memref<!tpu.dma_semaphore, #tpu.memory_space<semaphore_mem>>
        %dma_start3A = arith.constant 0 : i32
        %dma_start3A_29 = tpu.memref_slice %arg4[%scan3A_28, %dma_start3A] : memref<125x80xi32, #tpu.memory_space<vmem>> -> memref<1x80xi32, #tpu.memory_space<vmem>>
        %dma_start3A_30 = tpu.memref_squeeze %dma_start3A_29 : memref<1x80xi32, #tpu.memory_space<vmem>> -> memref<80xi32, #tpu.memory_space<vmem>>
        %dma_start3A_31 = arith.constant 0 : i32
        %dma_start3A_32 = arith.constant 0 : i32
        %dma_start3A_33 = tpu.memref_slice %arg7[%dma_start3A_31, %dma_start3A_32] : memref<10240x16xf32, #tpu.memory_space<vmem_shared>> -> memref<10240x16xf32, #tpu.memory_space<vmem_shared>>
        tpu.enqueue_indirect_dma source(%arg5 : memref<80x16xf32, #tpu.memory_space<vmem>>) target(%dma_start3A_33 : memref<10240x16xf32, #tpu.memory_space<vmem_shared>>) offsets(%dma_start3A_30 : memref<80xi32, #tpu.memory_space<vmem>>) semaphore(%run_scoped3A : memref<!tpu.dma_semaphore, #tpu.memory_space<semaphore_mem>>) {add = true}
        %dma_wait3A = arith.constant 0 : i32
        %dma_wait3A_34 = tpu.memref_slice %arg4[%scan3A_28, %dma_wait3A] : memref<125x80xi32, #tpu.memory_space<vmem>> -> memref<1x80xi32, #tpu.memory_space<vmem>>
        %dma_wait3A_35 = tpu.memref_squeeze %dma_wait3A_34 : memref<1x80xi32, #tpu.memory_space<vmem>> -> memref<80xi32, #tpu.memory_space<vmem>>
        %dma_wait3A_36 = arith.constant 0 : i32
        %dma_wait3A_37 = arith.constant 0 : i32
        %dma_wait3A_38 = tpu.memref_slice %arg7[%dma_wait3A_36, %dma_wait3A_37] : memref<10240x16xf32, #tpu.memory_space<vmem_shared>> -> memref<10240x16xf32, #tpu.memory_space<vmem_shared>>
        tpu.wait_indirect_dma semaphore(%run_scoped3A : memref<!tpu.dma_semaphore, #tpu.memory_space<semaphore_mem>>) src(%arg5 : memref<80x16xf32, #tpu.memory_space<vmem>>) dst(%dma_wait3A_38 : memref<10240x16xf32, #tpu.memory_space<vmem_shared>>)
        tpu.yield
      }) : () -> ()
    }
    %scan3A_22 = arith.constant 125 : i32
    %barrier3A_23 = arith.constant 0 : index
    tpu.barrier barrier_id(%barrier3A_23)
    %mul3A_24 = arith.constant 640 : i32
    %mul3A_25 = arith.muli %arg1, %mul3A_24 : i32
    %mul3A_26 = arith.constant 640 : i32
    %mul3A_27 = arith.muli %arg1, %mul3A_26 : i32
    "tpu.region"() ({
      %run_scoped3A = tpu.sem_alloc : memref<!tpu.dma_semaphore, #tpu.memory_space<semaphore_mem>>
      %dma_start3A = arith.constant 0 : i32
      %dma_start3A_28 = tpu.memref_slice %arg3[%arg0, %mul3A_27, %dma_start3A] : memref<2x10240x16xf32, #tpu.memory_space<hbm>> -> memref<1x640x16xf32, #tpu.memory_space<hbm>>
      %dma_start3A_29 = tpu.memref_squeeze %dma_start3A_28 : memref<1x640x16xf32, #tpu.memory_space<hbm>> -> memref<640x16xf32, #tpu.memory_space<hbm>>
      %dma_start3A_30 = arith.constant 0 : i32
      %dma_start3A_31 = tpu.memref_slice %arg7[%mul3A_25, %dma_start3A_30] : memref<10240x16xf32, #tpu.memory_space<vmem_shared>> -> memref<640x16xf32, #tpu.memory_space<vmem_shared>>
      tpu.enqueue_dma source(%dma_start3A_31 : memref<640x16xf32, #tpu.memory_space<vmem_shared>>) target(%dma_start3A_29 : memref<640x16xf32, #tpu.memory_space<hbm>>) target_semaphore(%run_scoped3A : memref<!tpu.dma_semaphore, #tpu.memory_space<semaphore_mem>>)
      %dma_wait3A = arith.constant 0 : i32
      %dma_wait3A_32 = tpu.memref_slice %arg3[%arg0, %mul3A_27, %dma_wait3A] : memref<2x10240x16xf32, #tpu.memory_space<hbm>> -> memref<1x640x16xf32, #tpu.memory_space<hbm>>
      %dma_wait3A_33 = tpu.memref_squeeze %dma_wait3A_32 : memref<1x640x16xf32, #tpu.memory_space<hbm>> -> memref<640x16xf32, #tpu.memory_space<hbm>>
      %dma_wait3A_34 = arith.constant 0 : i32
      %dma_wait3A_35 = tpu.memref_slice %arg7[%mul3A_25, %dma_wait3A_34] : memref<10240x16xf32, #tpu.memory_space<vmem_shared>> -> memref<640x16xf32, #tpu.memory_space<vmem_shared>>
      tpu.wait_dma2 semaphore(%run_scoped3A : memref<!tpu.dma_semaphore, #tpu.memory_space<semaphore_mem>>) src(%dma_wait3A_35 : memref<640x16xf32, #tpu.memory_space<vmem_shared>>) dst(%dma_wait3A_33 : memref<640x16xf32, #tpu.memory_space<hbm>>)
      tpu.yield
    }) : () -> ()
    return
  }
}

module attributes {stable_mosaic.version = 14 : i64} {
  func.func @body(%arg0: i32, %arg1: memref<1000x128xf32, #tpu.memory_space<vmem>>, %arg2: memref<128x16xf32, #tpu.memory_space<vmem>>, %arg3: memref<2x1000x16xf32, #tpu.memory_space<vmem>>, %arg4: memref<1000x16xf32, #tpu.memory_space<vmem>>, %arg5: memref<1000x16xf32, #tpu.memory_space<vmem>>) attributes {dimension_semantics = [#tpu.dimension_semantics<arbitrary>], iteration_bounds = array<i64: 10>, scalar_prefetch = 0 : i64, scratch_operands = 0 : i64, tpu.core_type = #tpu.core_type<tc>, window_params = [{transform_indices = @transform_0, window_bounds = array<i64: 1000, 128>}, {pipeline_mode = #tpu.pipeline_mode<synchronous>, transform_indices = @transform_1, window_bounds = array<i64: 128, 16>}, {transform_indices = @transform_2, window_bounds = array<i64: 2, 1000, 16>}, {transform_indices = @transform_3, window_bounds = array<i64: 1000, 16>}, {transform_indices = @transform_4, window_bounds = array<i64: 1000, 16>}]} {
    %get3A = arith.constant 0 : index
    %get3A_0 = arith.constant 0 : index
    %get3A_1 = vector.load %arg1[%get3A, %get3A_0] : memref<1000x128xf32, #tpu.memory_space<vmem>>, vector<1000x128xf32>
    %get3A_2 = arith.constant 0 : index
    %get3A_3 = arith.constant 0 : index
    %get3A_4 = vector.load %arg2[%get3A_2, %get3A_3] : memref<128x16xf32, #tpu.memory_space<vmem>>, vector<128x16xf32>
    %dot_general3A = arith.constant dense<0.000000e+00> : vector<1000x16xf32>
    %dot_general3A_5 = tpu.matmul %get3A_1, %get3A_4, %dot_general3A {dimension_numbers = #tpu.dot_dimension_numbers<[1], [0], [0], [1], [0, 0, 1, 1], [], []>, transpose_lhs_hint = false} : vector<1000x128xf32>, vector<128x16xf32>, vector<1000x16xf32> -> vector<1000x16xf32>
    %get3A_6 = arith.constant 0 : index
    %get3A_7 = arith.constant 0 : index
    %get3A_8 = arith.constant 0 : index
    %get3A_9 = vector.load %arg3[%get3A_6, %get3A_7, %get3A_8] : memref<2x1000x16xf32, #tpu.memory_space<vmem>>, vector<1x1000x1xf32>
    %get3A_10 = vector.shape_cast %get3A_9 : vector<1x1000x1xf32> to vector<1000x1xf32>
    %get3A_11 = arith.constant 1 : index
    %get3A_12 = arith.constant 0 : index
    %get3A_13 = arith.constant 0 : index
    %get3A_14 = vector.load %arg3[%get3A_11, %get3A_12, %get3A_13] : memref<2x1000x16xf32, #tpu.memory_space<vmem>>, vector<1x1000x1xf32>
    %get3A_15 = vector.shape_cast %get3A_14 : vector<1x1000x1xf32> to vector<1000x1xf32>
    %add3A = arith.addf %get3A_10, %get3A_15 : vector<1000x1xf32>
    %add3A_16 = arith.constant 1.000000e+00 : f32
    %add3A_17 = vector.broadcast %add3A_16 : f32 to vector<1000x1xf32>
    %add3A_18 = arith.addf %add3A, %add3A_17 : vector<1000x1xf32>
    %rsqrt3A = math.rsqrt %add3A_18 : vector<1000x1xf32>
    %mul3A = vector.broadcast %rsqrt3A : vector<1000x1xf32> to vector<1000x16xf32>
    %mul3A_19 = arith.mulf %dot_general3A_5, %mul3A : vector<1000x16xf32>
    %swap3A = arith.constant 0 : index
    %swap3A_20 = arith.constant 0 : index
    %swap3A_21 = vector.load %arg4[%swap3A, %swap3A_20] : memref<1000x16xf32, #tpu.memory_space<vmem>>, vector<1000x16xf32>
    tpu.vector_store %arg4[%swap3A, %swap3A_20], %mul3A_19 {strides = array<i32>} : memref<1000x16xf32, #tpu.memory_space<vmem>>, vector<1000x16xf32>,
    %broadcast_in_dim3A = vector.shape_cast %rsqrt3A : vector<1000x1xf32> to vector<1000x1xf32>
    %broadcast_in_dim3A_22 = vector.broadcast %broadcast_in_dim3A : vector<1000x1xf32> to vector<1000x16xf32>
    %swap3A_23 = arith.constant 0 : index
    %swap3A_24 = arith.constant 0 : index
    %swap3A_25 = vector.load %arg5[%swap3A_23, %swap3A_24] : memref<1000x16xf32, #tpu.memory_space<vmem>>, vector<1000x16xf32>
    tpu.vector_store %arg5[%swap3A_23, %swap3A_24], %broadcast_in_dim3A_22 {strides = array<i32>} : memref<1000x16xf32, #tpu.memory_space<vmem>>, vector<1000x16xf32>,
    return
  }
  func.func @transform_0(%arg0: i32) -> (i32, i32) {
    %c0_i32 = arith.constant 0 : i32
    %c0_i32_0 = arith.constant 0 : i32
    return %arg0, %c0_i32 : i32, i32
  }
  func.func @transform_1(%arg0: i32) -> (i32, i32) {
    %c0_i32 = arith.constant 0 : i32
    %c0_i32_0 = arith.constant 0 : i32
    %c0_i32_1 = arith.constant 0 : i32
    return %c0_i32, %c0_i32_0 : i32, i32
  }
  func.func @transform_2(%arg0: i32) -> (i32, i32, i32) {
    %c0_i32 = arith.constant 0 : i32
    %c0_i32_0 = arith.constant 0 : i32
    %c0_i32_1 = arith.constant 0 : i32
    return %c0_i32, %arg0, %c0_i32_0 : i32, i32, i32
  }
  func.func @transform_3(%arg0: i32) -> (i32, i32) {
    %c0_i32 = arith.constant 0 : i32
    %c0_i32_0 = arith.constant 0 : i32
    return %arg0, %c0_i32 : i32, i32
  }
  func.func @transform_4(%arg0: i32) -> (i32, i32) {
    %c0_i32 = arith.constant 0 : i32
    %c0_i32_0 = arith.constant 0 : i32
    return %arg0, %c0_i32 : i32, i32
  }
}

module attributes {stable_mosaic.version = 14 : i64} {
  func.func @body(%arg0: i32, %arg1: memref<2x1000x16xf32, #tpu.memory_space<vmem>>, %arg2: memref<1000x16xf32, #tpu.memory_space<vmem>>, %arg3: memref<1000x16xf32, #tpu.memory_space<vmem>>, %arg4: memref<1x16xf32, #tpu.memory_space<vmem>>, %arg5: memref<16x48xf32, #tpu.memory_space<vmem>>, %arg6: memref<1000x48xf32, #tpu.memory_space<vmem>>) attributes {dimension_semantics = [#tpu.dimension_semantics<arbitrary>], iteration_bounds = array<i64: 10>, scalar_prefetch = 0 : i64, scratch_operands = 0 : i64, tpu.core_type = #tpu.core_type<tc>, window_params = [{transform_indices = @transform_0, window_bounds = array<i64: 2, 1000, 16>}, {transform_indices = @transform_1, window_bounds = array<i64: 1000, 16>}, {transform_indices = @transform_2, window_bounds = array<i64: 1000, 16>}, {pipeline_mode = #tpu.pipeline_mode<synchronous>, transform_indices = @transform_3, window_bounds = array<i64: 1, 16>}, {pipeline_mode = #tpu.pipeline_mode<synchronous>, transform_indices = @transform_4, window_bounds = array<i64: 16, 48>}, {transform_indices = @transform_5, window_bounds = array<i64: 1000, 48>}]} {
    %get3A = arith.constant 0 : index
    %get3A_0 = arith.constant 0 : index
    %get3A_1 = arith.constant 0 : index
    %get3A_2 = vector.load %arg1[%get3A, %get3A_0, %get3A_1] : memref<2x1000x16xf32, #tpu.memory_space<vmem>>, vector<1x1000x16xf32>
    %get3A_3 = vector.shape_cast %get3A_2 : vector<1x1000x16xf32> to vector<1000x16xf32>
    %get3A_4 = arith.constant 1 : index
    %get3A_5 = arith.constant 0 : index
    %get3A_6 = arith.constant 0 : index
    %get3A_7 = vector.load %arg1[%get3A_4, %get3A_5, %get3A_6] : memref<2x1000x16xf32, #tpu.memory_space<vmem>>, vector<1x1000x16xf32>
    %get3A_8 = vector.shape_cast %get3A_7 : vector<1x1000x16xf32> to vector<1000x16xf32>
    %add3A = arith.addf %get3A_3, %get3A_8 : vector<1000x16xf32>
    %get3A_9 = arith.constant 0 : index
    %get3A_10 = arith.constant 0 : index
    %get3A_11 = vector.load %arg2[%get3A_9, %get3A_10] : memref<1000x16xf32, #tpu.memory_space<vmem>>, vector<1000x16xf32>
    %add3A_12 = arith.addf %add3A, %get3A_11 : vector<1000x16xf32>
    %get3A_13 = arith.constant 0 : index
    %get3A_14 = arith.constant 0 : index
    %get3A_15 = vector.load %arg3[%get3A_13, %get3A_14] : memref<1000x16xf32, #tpu.memory_space<vmem>>, vector<1000x16xf32>
    %mul3A = arith.mulf %add3A_12, %get3A_15 : vector<1000x16xf32>
    %get3A_16 = arith.constant 0 : index
    %get3A_17 = arith.constant 0 : index
    %get3A_18 = vector.load %arg4[%get3A_16, %get3A_17] : memref<1x16xf32, #tpu.memory_space<vmem>>, vector<1x16xf32>
    %add3A_19 = vector.broadcast %get3A_18 : vector<1x16xf32> to vector<1000x16xf32>
    %add3A_20 = arith.addf %mul3A, %add3A_19 : vector<1000x16xf32>
    %max3A = arith.constant 0.000000e+00 : f32
    %max3A_21 = vector.broadcast %max3A : f32 to vector<1000x16xf32>
    %max3A_22 = arith.maximumf %add3A_20, %max3A_21 : vector<1000x16xf32>
    %get3A_23 = arith.constant 0 : index
    %get3A_24 = arith.constant 0 : index
    %get3A_25 = vector.load %arg5[%get3A_23, %get3A_24] : memref<16x48xf32, #tpu.memory_space<vmem>>, vector<16x48xf32>
    %dot_general3A = arith.constant dense<0.000000e+00> : vector<1000x48xf32>
    %dot_general3A_26 = tpu.matmul %max3A_22, %get3A_25, %dot_general3A {dimension_numbers = #tpu.dot_dimension_numbers<[1], [0], [0], [1], [0, 0, 1, 1], [], []>, transpose_lhs_hint = false} : vector<1000x16xf32>, vector<16x48xf32>, vector<1000x48xf32> -> vector<1000x48xf32>
    %get3A_27 = arith.constant 0 : index
    %get3A_28 = arith.constant 0 : index
    %get3A_29 = vector.load %arg3[%get3A_27, %get3A_28] : memref<1000x16xf32, #tpu.memory_space<vmem>>, vector<1000x16xf32>
    %slice3A = vector.extract_strided_slice %get3A_29 {offsets = [0, 0], sizes = [1000, 1], strides = [1, 1]} : vector<1000x16xf32> to vector<1000x1xf32>
    %mul3A_30 = vector.broadcast %slice3A : vector<1000x1xf32> to vector<1000x48xf32>
    %mul3A_31 = arith.mulf %dot_general3A_26, %mul3A_30 : vector<1000x48xf32>
    %swap3A = arith.constant 0 : index
    %swap3A_32 = arith.constant 0 : index
    %swap3A_33 = vector.load %arg6[%swap3A, %swap3A_32] : memref<1000x48xf32, #tpu.memory_space<vmem>>, vector<1000x48xf32>
    tpu.vector_store %arg6[%swap3A, %swap3A_32], %mul3A_31 {strides = array<i32>} : memref<1000x48xf32, #tpu.memory_space<vmem>>, vector<1000x48xf32>,
    return
  }
  func.func @transform_0(%arg0: i32) -> (i32, i32, i32) {
    %c0_i32 = arith.constant 0 : i32
    %c0_i32_0 = arith.constant 0 : i32
    %c0_i32_1 = arith.constant 0 : i32
    return %c0_i32, %arg0, %c0_i32_0 : i32, i32, i32
  }
  func.func @transform_1(%arg0: i32) -> (i32, i32) {
    %c0_i32 = arith.constant 0 : i32
    %c0_i32_0 = arith.constant 0 : i32
    return %arg0, %c0_i32 : i32, i32
  }
  func.func @transform_2(%arg0: i32) -> (i32, i32) {
    %c0_i32 = arith.constant 0 : i32
    %c0_i32_0 = arith.constant 0 : i32
    return %arg0, %c0_i32 : i32, i32
  }
  func.func @transform_3(%arg0: i32) -> (i32, i32) {
    %c0_i32 = arith.constant 0 : i32
    %c0_i32_0 = arith.constant 0 : i32
    %c0_i32_1 = arith.constant 0 : i32
    return %c0_i32, %c0_i32_0 : i32, i32
  }
  func.func @transform_4(%arg0: i32) -> (i32, i32) {
    %c0_i32 = arith.constant 0 : i32
    %c0_i32_0 = arith.constant 0 : i32
    %c0_i32_1 = arith.constant 0 : i32
    return %c0_i32, %c0_i32_0 : i32, i32
  }
  func.func @transform_5(%arg0: i32) -> (i32, i32) {
    %c0_i32 = arith.constant 0 : i32
    %c0_i32_0 = arith.constant 0 : i32
    return %arg0, %c0_i32 : i32, i32
  }
}

module attributes {stable_mosaic.version = 14 : i64} {
  func.func @body(%arg0: i32, %arg1: memref<2x1000x48xf32, #tpu.memory_space<vmem>>, %arg2: memref<1000x48xf32, #tpu.memory_space<vmem>>, %arg3: memref<1000x16xf32, #tpu.memory_space<vmem>>, %arg4: memref<1x48xf32, #tpu.memory_space<vmem>>, %arg5: memref<1000x40xf32, #tpu.memory_space<vmem>>) attributes {dimension_semantics = [#tpu.dimension_semantics<arbitrary>], iteration_bounds = array<i64: 10>, scalar_prefetch = 0 : i64, scratch_operands = 0 : i64, tpu.core_type = #tpu.core_type<tc>, window_params = [{transform_indices = @transform_0, window_bounds = array<i64: 2, 1000, 48>}, {transform_indices = @transform_1, window_bounds = array<i64: 1000, 48>}, {transform_indices = @transform_2, window_bounds = array<i64: 1000, 16>}, {pipeline_mode = #tpu.pipeline_mode<synchronous>, transform_indices = @transform_3, window_bounds = array<i64: 1, 48>}, {transform_indices = @transform_4, window_bounds = array<i64: 1000, 40>}]} {
    %get3A = arith.constant 0 : index
    %get3A_0 = arith.constant 0 : index
    %get3A_1 = arith.constant 0 : index
    %get3A_2 = vector.load %arg1[%get3A, %get3A_0, %get3A_1] : memref<2x1000x48xf32, #tpu.memory_space<vmem>>, vector<1x1000x48xf32>
    %get3A_3 = vector.shape_cast %get3A_2 : vector<1x1000x48xf32> to vector<1000x48xf32>
    %get3A_4 = arith.constant 1 : index
    %get3A_5 = arith.constant 0 : index
    %get3A_6 = arith.constant 0 : index
    %get3A_7 = vector.load %arg1[%get3A_4, %get3A_5, %get3A_6] : memref<2x1000x48xf32, #tpu.memory_space<vmem>>, vector<1x1000x48xf32>
    %get3A_8 = vector.shape_cast %get3A_7 : vector<1x1000x48xf32> to vector<1000x48xf32>
    %add3A = arith.addf %get3A_3, %get3A_8 : vector<1000x48xf32>
    %get3A_9 = arith.constant 0 : index
    %get3A_10 = arith.constant 0 : index
    %get3A_11 = vector.load %arg2[%get3A_9, %get3A_10] : memref<1000x48xf32, #tpu.memory_space<vmem>>, vector<1000x48xf32>
    %add3A_12 = arith.addf %add3A, %get3A_11 : vector<1000x48xf32>
    %get3A_13 = arith.constant 0 : index
    %get3A_14 = arith.constant 0 : index
    %get3A_15 = vector.load %arg3[%get3A_13, %get3A_14] : memref<1000x16xf32, #tpu.memory_space<vmem>>, vector<1000x16xf32>
    %slice3A = vector.extract_strided_slice %get3A_15 {offsets = [0, 0], sizes = [1000, 1], strides = [1, 1]} : vector<1000x16xf32> to vector<1000x1xf32>
    %mul3A = vector.broadcast %slice3A : vector<1000x1xf32> to vector<1000x48xf32>
    %mul3A_16 = arith.mulf %add3A_12, %mul3A : vector<1000x48xf32>
    %get3A_17 = arith.constant 0 : index
    %get3A_18 = arith.constant 0 : index
    %get3A_19 = vector.load %arg4[%get3A_17, %get3A_18] : memref<1x48xf32, #tpu.memory_space<vmem>>, vector<1x48xf32>
    %add3A_20 = vector.broadcast %get3A_19 : vector<1x48xf32> to vector<1000x48xf32>
    %add3A_21 = arith.addf %mul3A_16, %add3A_20 : vector<1000x48xf32>
    %reduce_max3A = arith.constant dense<0xFF800000> : vector<1000xf32>
    %reduce_max3A_22 = vector.multi_reduction <maximumf>, %add3A_21, %reduce_max3A [1] : vector<1000x48xf32> to vector<1000xf32>
    %broadcast_in_dim3A = vector.shape_cast %reduce_max3A_22 : vector<1000xf32> to vector<1000x1xf32>
    %sub3A = vector.broadcast %broadcast_in_dim3A : vector<1000x1xf32> to vector<1000x48xf32>
    %sub3A_23 = arith.subf %add3A_21, %sub3A : vector<1000x48xf32>
    %exp3A = math.exp %sub3A_23 : vector<1000x48xf32>
    %reduce_sum3A = arith.constant dense<0.000000e+00> : vector<1000xf32>
    %reduce_sum3A_24 = vector.multi_reduction <add>, %exp3A, %reduce_sum3A [1] : vector<1000x48xf32> to vector<1000xf32>
    %broadcast_in_dim3A_25 = vector.shape_cast %reduce_sum3A_24 : vector<1000xf32> to vector<1000x1xf32>
    %sub3A_26 = vector.broadcast %broadcast_in_dim3A : vector<1000x1xf32> to vector<1000x48xf32>
    %sub3A_27 = arith.subf %add3A_21, %sub3A_26 : vector<1000x48xf32>
    %log3A = math.log %broadcast_in_dim3A_25 : vector<1000x1xf32>
    %sub3A_28 = vector.broadcast %log3A : vector<1000x1xf32> to vector<1000x48xf32>
    %sub3A_29 = arith.subf %sub3A_27, %sub3A_28 : vector<1000x48xf32>
    %slice3A_30 = vector.extract_strided_slice %sub3A_29 {offsets = [0, 0], sizes = [1000, 40], strides = [1, 1]} : vector<1000x48xf32> to vector<1000x40xf32>
    %swap3A = arith.constant 0 : index
    %swap3A_31 = arith.constant 0 : index
    %swap3A_32 = vector.load %arg5[%swap3A, %swap3A_31] : memref<1000x40xf32, #tpu.memory_space<vmem>>, vector<1000x40xf32>
    tpu.vector_store %arg5[%swap3A, %swap3A_31], %slice3A_30 {strides = array<i32>} : memref<1000x40xf32, #tpu.memory_space<vmem>>, vector<1000x40xf32>,
    return
  }
  func.func @transform_0(%arg0: i32) -> (i32, i32, i32) {
    %c0_i32 = arith.constant 0 : i32
    %c0_i32_0 = arith.constant 0 : i32
    %c0_i32_1 = arith.constant 0 : i32
    return %c0_i32, %arg0, %c0_i32_0 : i32, i32, i32
  }
  func.func @transform_1(%arg0: i32) -> (i32, i32) {
    %c0_i32 = arith.constant 0 : i32
    %c0_i32_0 = arith.constant 0 : i32
    return %arg0, %c0_i32 : i32, i32
  }
  func.func @transform_2(%arg0: i32) -> (i32, i32) {
    %c0_i32 = arith.constant 0 : i32
    %c0_i32_0 = arith.constant 0 : i32
    return %arg0, %c0_i32 : i32, i32
  }
  func.func @transform_3(%arg0: i32) -> (i32, i32) {
    %c0_i32 = arith.constant 0 : i32
    %c0_i32_0 = arith.constant 0 : i32
    %c0_i32_1 = arith.constant 0 : i32
    return %c0_i32, %c0_i32_0 : i32, i32
  }
  func.func @transform_4(%arg0: i32) -> (i32, i32) {
    %c0_i32 = arith.constant 0 : i32
    %c0_i32_0 = arith.constant 0 : i32
    return %arg0, %c0_i32 : i32, i32
  }
}

</mosaic_0001>

<sc_bundles>
// kernel: kernel.11.cloned.1.call-start
scs
__scs_entry_jumppad:
0x0: {  	(pc) =	sbr.rel $0x88, $3  }
0x1: {  	(tag) =	ssettag $0x0;
	lr =	simm.s32 $0x1  }
0x2: {  	[smem:$0x3F9B] =	sst lr;
	_ =	strace $0xD0000000  }
0x3: {  	_ = 	snop  }
0x4: {  	_ = 	snop  }
0x5: {  	_ = 	snop  }
0x6: {  	_ = 	snop  }
0x7: {  	_ = 	snop  }
__scs_overlays_trampoline_lowered:
0x8: {  	[smem:$0x3FAA] =	sst s0  }
0x9: {  	[smem:$0x3FAB] =	sst s1  }
0xa: {  	[smem:$0x3FAC] =	sst s2  }
0xb: {  	[smem:$0x3FAD] =	sst s3  }
0xc: {  	[smem:$0x3FAE] =	sst s4  }
0xd: {  	[smem:$0x3FAF] =	sst s5  }
0xe: {  	[smem:$0x3FB0] =	sst s6  }
0xf: {  	[smem:$0x3FB1] =	sst s7  }
0x10: {  	[smem:$0x3FB2] =	sst s8  }
0x11: {  	[smem:$0x3FB3] =	sst s9;
	s0 =	simm.s32 @!p0 $0x0  }
0x12: {  	s1 =	sld [smem:$0x3F99];
	s0 =	simm.s32 @p0 $0x1  }
0x13: {  	[smem:$0x3FB4] =	sst s0;
	s0 =	simm.s32 @!p1 $0x0  }
0x14: {  	s2 =	sld [smem:$0x3F98];
	s0 =	simm.s32 @p1 $0x1  }
0x15: {  	[smem:$0x3FB5] =	sst s0;
	s0 =	simm.s32 @!p2 $0x0  }
0x16: {  	s3 =	sld [smem:$0x3FDB];
	s0 =	simm.s32 @p2 $0x1  }
0x17: {  	s4 =	simm.s32 $0x1BF5;
	[smem:$0x3FB7] =	sst s0  }
0x18: {  	s0 =	sld [smem:$0x3F9A];
	_ =	swait.ge [sflag:s4], $0x0  }
0x19: {  	s7 =	sld [smem:$0x3F9B]  }
0x1a: {  	s8 =	sadd.s32 $0xFFFFE003, lr  }
0x1b: {  	s9 =	sadd.s32 $0xFFFFFEF7, lr;
	s5 =	simm.s32 $0xFFFFFFFF;
	p2 =	slt.u32 s8, $0xFFFFF086  }
0x1c: {  	p1 =	slt.u32 s9, $0xF7A;
	s5 =	simm.s32 @!p2 $0x0  }
0x1d: {  	s5 =	simm.s32 @p1 $0x1;
	p0 =	seq.s32 s7, s2  }
0x1e: {  	s7 =	smul.u32 @!p0 $0xF7A, s2;
	p2 =	seq.s32 @!p0 s5, $0x0  }
0x1f: {  	s9 =	smul.u32 $0xF7A, s1;
	s8 =	simm.s32 @!p0 $0x1BF5;
	p2 =	por !p2, p0  }
0x20: {  	[sflag:s8] =	ssyncset.s32 @!p0 $0xFFFFF086;
	s6 =	sadd.s32 @!p0 s3, s7;
	s7 =	simm.s32 @!p0 $0x108  }
0x21: {  	s3 =	sadd.s32 s3, s9;
	s6 =	sadd.s32 @!p0 $0x88, s6;
	s7 =	simm.s32 @p2 $0x1082  }
0x22: {  	[simem:s7], [sflag:s8] =	dma.local @!p0 [hbm:s6], $0xF7A  }
0x23: {  	s9 =	sor.u32 $0xD0000000, s2;
	s6 =	simm.s32 $0x108;
	_ =	swait.ge @!p0 [sflag:s8], $0x0  }
0x24: {  	s3 =	sadd.s32 $0x88, s3;
	s6 =	simm.s32 @!p1 $0x1082;
	[sflag:s4] =	ssyncset.s32 $0xFFFFF086  }
0x25: {  	[simem:s6], [sflag:s4] =	dma.local [hbm:s3], $0xF7A  }
0x26: {  	[smem:$0x3F9B] =	sst s1;
	(tag) =	ssettag s2;
	_ =	strace s9  }
0x27: {  	s1 =	sld [smem:$0x3FAB]  }
0x28: {  	s2 =	sld [smem:$0x3FAC]  }
0x29: {  	s4 =	sld [smem:$0x3FAE]  }
0x2a: {  	p0 =	seq.s32 s5, $0x0;
	s5 =	sld [smem:$0x3FAF]  }
0x2b: {  	s6 =	sld [smem:$0x3FB0]  }
0x2c: {  	s7 =	sld [smem:$0x3FB1]  }
0x2d: {  	s3 =	simm.s32 $0x108;
	s8 =	sld [smem:$0x3FB2]  }
0x2e: {  	s3 =	simm.s32 @!p0 $0x1082;
	s9 =	sld [smem:$0x3FB3]  }
0x2f: {  	lr =	sadd.s32 s0, s3;
	s0 =	sld [smem:$0x3FAA]  }
0x30: {  	s3 =	sld [smem:$0x3FAD]  }
0x31: {  	[smem:$0x3FB6] =	sst s10  }
0x32: {  	s10 =	sld [smem:$0x3FB4];
	_ =	sdelay $0x3  }
0x33: {  	p0 =	seq.s32 s10, $0x1;
	s10 =	sld [smem:$0x3FB6];
	_ =	sdelay $0x3  }
0x34: {  	[smem:$0x3FB6] =	sst s10  }
0x35: {  	s10 =	sld [smem:$0x3FB5];
	_ =	sdelay $0x3  }
0x36: {  	p1 =	seq.s32 s10, $0x1;
	s10 =	sld [smem:$0x3FB6];
	_ =	sdelay $0x3  }
0x37: {  	[smem:$0x3FB6] =	sst s10  }
0x38: {  	s10 =	sld [smem:$0x3FB7]  }
0x39: {  	_ = 	snop;
	(pc) =	sbr.ind lr, $3  }
0x3a: {  	_ = 	snop  }
0x3b: {  	_ = 	snop  }
0x3c: {  	p2 =	seq.s32 s10, $0x1;
	s10 =	sld [smem:$0x3FB6]  }
0x3d: {  	_ =	shalt  }
0x3e: {  	_ =	shalt  }
0x3f: {  	_ =	shalt  }
0x40: {  	_ =	shalt  }
0x41: {  	_ =	shalt  }
0x42: {  	_ =	shalt  }
0x43: {  	_ =	shalt  }
0x44: {  	_ =	shalt  }
0x45: {  	_ =	shalt  }
0x46: {  	_ =	shalt  }
0x47: {  	_ =	shalt  }
0x48: {  	_ =	shalt  }
0x49: {  	_ =	shalt  }
0x4a: {  	_ =	shalt  }
0x4b: {  	_ =	shalt  }
0x4c: {  	_ =	shalt  }
0x4d: {  	_ =	shalt  }
0x4e: {  	_ =	shalt  }
0x4f: {  	_ =	shalt  }
0x50: {  	_ =	shalt  }
0x51: {  	_ =	shalt  }
0x52: {  	_ =	shalt  }
0x53: {  	_ =	shalt  }
0x54: {  	_ =	shalt  }
0x55: {  	_ =	shalt  }
0x56: {  	_ =	shalt  }
0x57: {  	_ =	shalt  }
0x58: {  	_ =	shalt  }
0x59: {  	_ =	shalt  }
0x5a: {  	_ =	shalt  }
0x5b: {  	_ =	shalt  }
0x5c: {  	_ =	shalt  }
0x5d: {  	_ =	shalt  }
0x5e: {  	_ =	shalt  }
0x5f: {  	_ =	shalt  }
0x60: {  	_ =	shalt  }
0x61: {  	_ =	shalt  }
0x62: {  	_ =	shalt  }
0x63: {  	_ =	shalt  }
0x64: {  	_ =	shalt  }
0x65: {  	_ =	shalt  }
0x66: {  	_ =	shalt  }
0x67: {  	_ =	shalt  }
0x68: {  	_ =	shalt  }
0x69: {  	_ =	shalt  }
0x6a: {  	_ =	shalt  }
0x6b: {  	_ =	shalt  }
0x6c: {  	_ =	shalt  }
0x6d: {  	_ =	shalt  }
0x6e: {  	_ =	shalt  }
0x6f: {  	_ =	shalt  }
0x70: {  	_ =	shalt  }
0x71: {  	_ =	shalt  }
0x72: {  	_ =	shalt  }
0x73: {  	_ =	shalt  }
0x74: {  	_ =	shalt  }
0x75: {  	_ =	shalt  }
0x76: {  	_ =	shalt  }
0x77: {  	_ =	shalt  }
0x78: {  	_ =	shalt  }
0x79: {  	_ =	shalt  }
0x7a: {  	_ =	shalt  }
0x7b: {  	_ =	shalt  }
0x7c: {  	_ =	shalt  }
0x7d: {  	_ =	shalt  }
0x7e: {  	_ =	shalt  }
0x7f: {  	_ =	shalt  }
0x80: {  	_ =	shalt  }
0x81: {  	_ =	shalt  }
0x82: {  	_ =	shalt  }
0x83: {  	_ =	shalt  }
0x84: {  	_ =	shalt  }
0x85: {  	_ =	shalt  }
0x86: {  	_ =	shalt  }
0x87: {  	_ =	shalt  }
.Lfunc_end0:
.L_simem_size_0:
called_computation.1_lowered:
.L_overlay_start_0:
0x88: {  	s2 =	sld [smem:$0x3FD9]  }
0x89: {  	s3 =	sld [smem:$0x3FFE];
	_ =	sdelay $0x1  }
0x8a: {  	s1 =	srdreg.scid  }
0x8b: {  	s0 =	sand.u32 $0x1, s1  }
0x8c: {  	s17 =	sshll.u32 s0, $0xA;
	s2 =	sadd.s32 s3, s2  }
0x8d: {  	s2 =	sadd.s32 s2, s17  }
0x8e: {  	[smem:$0x3FC2] =	sst s2  }
0x8f: {  	_ = 	snop  }
0x90: {  	s2 =	sld [smem:$0x3FD0];
	(tm) =	ssettm $0x1  }
0x91: {  	s18 =	sld [smem:$0x3FFB];
	_ =	sdelay $0x3  }
0x92: {  	_ =	strace s18  }
0x93: {  	s3 =	sld [smem:$0x3FFC];
	_ =	sdelay $0x3  }
0x94: {  	_ =	strace s3  }
0x95: {  	s3 =	sld [smem:$0x3FFD];
	_ =	sdelay $0x3  }
0x96: {  	_ =	strace s3  }
0x97: {  	_ =	strace $0x8FFFFFFF  }
0x98: {  	s19 =	sld [smem:$0x3FDB];
	_ =	sdelay $0x1  }
0x99: {  	s4 =	simm.s32 $_scs_section_size  }
0x9a: {  	s5 =	simm.s32 $_size__tile_overlayer_lowered;
	s6 =	simm.s32 $_tile_overlayer_lowered  }
0x9b: {  	s22 =	simm.s32 $0x1BFF;
	s21 =	sshll.u32 s6, $0x1;
	s3 =	sadd.s32 s4, s19  }
0x9c: {  	s7 =	simm.s32 $0x0;
	s20 =	sshll.u32 s5, $0x1;
	s5 =	sadd.s32 s21, s3  }
0x9d: {  	[timem:s7], [sflag:s22] =	dma.local [hbm:s5], s20  }
0x9e: {  	_ =	swait.ge [sflag:s22], s20  }
0x9f: {  	s4 =	ssub.s32 $0x0, s20;
	[sflag:s22] =	ssyncset.done $0x0  }
0xa0: {  	[sflag:s22] =	ssyncadd.s32 s4;
	_ =	sdelay $0x1  }
0xa1: {  	s23 =	simm.s32 $0x1B8B  }
0xa2: {  	_ =	swait.ge [sflag:s23], $0x1  }
0xa3: {  	[sflag:s23] =	ssyncset.done $0x0  }
0xa4: {  	s25 =	simm.s32 $0x1B8E;
	s24 =	sld [smem:$0x3FFE];
	[sflag:s23] =	ssyncadd.s32 $0xFFFFFFFF  }
0xa5: {  	s26 =	simm.s32 $execute0_lowered;
	[smem:$0x3FD2] =	sst s25  }
0xa6: {  	s5 =	sshll.u32 s26, $0x1;
	_ =	strace $0x80000049;
	[dreg:$0x1] =	wrdreg $0xFFFFFFFF  }
0xa7: {  	s28 =	simm.s32 $_size_execute0_lowered;
	s3 =	sadd.s32 s3, s5;
	[dreg:$0x0] =	wrdreg $0x0  }
0xa8: {  	s5 =	sshll.u32 s28, $0x1;
	[dreg:$0x2] =	wrdreg s3  }
0xa9: {  	[dreg:$0x3] =	wrdreg s5  }
0xaa: {  	[dreg:$0x4] =	wrdreg $0xC0  }
0xab: {  	_ =	task [dreg:s7], $0x5FFFF  }
0xac: {  	[dreg:$0x1] =	wrdreg $0xFFFFFFFF  }
0xad: {  	[dreg:$0x0] =	wrdreg $0x60  }
0xae: {  	[dreg:$0x2] =	wrdreg s24  }
0xaf: {  	[dreg:$0x3] =	wrdreg s2  }
0xb0: {  	[dreg:$0x4] =	wrdreg $0xA8200  }
0xb1: {  	[dreg:$0x5] =	wrdreg $0x80200  }
0xb2: {  	[dreg:$0x6] =	wrdreg $0x9  }
0xb3: {  	_ =	task.clear_ibuf [dreg:s7], $0x7FFFF;
	_ =	strace $0x90000049  }
0xb4: {  	s29 =	simm.s32 $0x9;
	_ =	strace $0x8000004B  }
0xb5: {  	_ =	swait.ge [sflag:s29], $0x1  }
0xb6: {  	[sflag:s29] =	ssyncadd.s32 $0xFFFFFFFF  }
0xb7: {  	_ =	strace $0x9000004B  }
0xb8: {  	_ =	sfence  }
0xb9: {  	s30 =	sld [smem:$0x0];
	_ =	sdelay $0x2  }
0xba: {  	s31 =	sshll.u32 s1, $0xD;
	s1 =	sshrl.u32 s1, $0x2  }
0xbb: {  	s3 =	sand.u32 $0x4000, s31;
	s1 =	sadd.s32 s1, s30  }
0xbc: {  	s0 =	sor.u32 s3, s0;
	s1 =	sshll.u32 s1, $0x11  }
0xbd: {  	s0 =	sor.u32 s1, s0  }
0xbe: {  	s0 =	sadd.s32 $0x8F2B, s0  }
0xbf: {  	[sflag:s0] =	ssyncadd.remote.s32 $0x1  }
0xc0: {  	_ =	sfence.sel $0xFFFF  }
0xc1: {  	[dreg:$0x0] =	wrdreg $0xFFFFFFFF;
	(pc) =	sbr.abs _section_cstart, $3  }
0xc2: {  	[dreg:$0x1] =	wrdreg $0xFFFFFFFF  }
0xc3: {  	_ =	task.clear_ibuf [dreg:s7], $0x2FFFF;
	_ =	strace $0x9FFFFFFF  }
0xc4: {  	(tm) =	ssettm $0x7FFFFFFF  }
0xc5: {  	_ =	shalt  }
tec
execute0_lowered:
.L_overlay_start_1:
0x0: {  	(tag) =	ssettag $0x1  }
0x1: {  	s5 =	rddreg [dreg:$0x0]  }
0x2: {  	s10 =	rddreg [dreg:$0x1]  }
0x3: {  	s2 =	rddreg [dreg:$0x2]  }
0x4: {  	s3 =	rddreg [dreg:$0x3];
	s0 =	stileid.u32  }
0x5: {  	s4 =	srdreg.scid;
	s1 =	rddreg [dreg:$0x4];
	s15 =	simm.s32 $0x2710  }
0x6: {  	s16 =	simm.s32 $0x50;
	s17 =	simm.s32 $0x4E20;
	s18 =	simm.s32 $0x1  }
0x7: {  	s19 =	simm.s32 $0x5320;
	s20 =	simm.s32 $0x3;
	s21 =	simm.s32 $0x0  }
0x8: {  	s6 =	smul.u32 $0x280, s0;
	s7 =	sand.u32 $0x1, s4;
	s8 =	sshll.u32 s0, $0x1  }
0x9: {  	s4 =	simm.s32 $0x0;
	s28 =	smul.u32 $0x2800, s0;
	s30 =	sshll.u32 s0, $0x6  }
0xa: {  	s8 =	sor.u32 s7, s8;
	[smem:$0x7FF] =	sst s4;
	s13 =	smul.u32 $0x28000, s7  }
0xb: {  	s11 =	ssub.s32 $0x2, s7;
	s6 =	smin.u32 s6, $0x2490;
	s8 =	smul.u32 $0x4E2, s8  }
0xc: {  	_ =	strace $0x8000004A;
	s26 =	sshrl.u32 s11, $0x1;
	s7 =	sadd.s32 s28, s3  }
0xd: {  	s9 =	sshll.u32 s6, $0x1;
	s11 =	ssub.s32 s11, s26;
	s29 =	sshll.u32 s6, $0x4  }
.Ltmp0:
0xe: {  	s6 =	sor.u32 $0x1C05, s30;
	s13 =	sadd.s32 s28, s13;
	(pc) =	sbr.rel .LBB2_1-.Ltmp0, $4  }
0xf: {  	s9 =	sadd.s32 s9, s5;
	s12 =	sadd.s32 s8, s5;
	s14 =	sadd.s32 s29, s2  }
0x10: {  	s31 =	sshrl.u32 s13, $0x3;
	s11 =	smax.u32 s11, $0x1;
	s13 =	simm.s32 $0x5  }
0x11: {  	s5 =	sadd.s32 $0x15200, s9;
	s8 =	sadd.s32 $0x1600, s12;
	s9 =	sadd.s32 $0xB400, s12  }
0x12: {  	v0 =	vimm.f32 $0.0e+00;
	s10 =	sadd.s32 s10, s31;
	s12 =	sshrl.u32 s14, $0x3;
	s14 =	simm.s32 $0x5820  }
.LBB2_5:
0x13: {  	s23 =	sadd.s32 $0x3, s25  }
0x14: {  	[spmem:s3] =	stream.indirect.scatter.add.f32 [tilespmem:s28], [sflag:s23], $0x10, s22, s16, $0xb8;
	[tilespmem:$0xD020] =	vst v63  }
.LBB2_7:
0x15: {  	_ =	swait.ge [sflag:s20], $0x500  }
0x16: {  	s21 =	sadd.s32 $0x1, s21;
	[sflag:s20] =	ssyncset.done $0x0  }
0x17: {  	p0 =	sne.s32 s21, s11;
	[sflag:s20] =	ssyncadd.s32 $0xFFFFFB00  }
.Ltmp1:
0x18: {  	s22 =	sshrl.u32 s7, $0x3;
	[bflag:$0x0] =	sbarrier.arrive $0xFFFF;
	(pc) =	sbr.rel @!p0 .LBB2_8-.Ltmp1, $4  }
0x19: {  	[hbm:s10], [sflag:s6] =	dma.local [spmem:s22], $0x500  }
0x1a: {  	_ =	swait.ge [sflag:s13], $0x500  }
0x1b: {  	[sflag:s13] =	ssyncset.done $0x0  }
0x1c: {  	[sflag:s13] =	ssyncadd.s32 $0xFFFFFB00  }
.LBB2_1:
0x1d: {  	[spmem:s12], [sflag:s6] =	dma.local [hbm:s5], $0x500  }
0x1e: {  	_ =	swait.ge [sflag:s13], $0x500  }
0x1f: {  	[sflag:s13] =	ssyncset.done $0x0  }
0x20: {  	s22 =	simm.s32 $0x40;
	s23 =	simm.s32 $0x0;
	[sflag:s13] =	ssyncadd.s32 $0xFFFFFB00  }
.LBB2_2:
0x21: {  	p0 =	sne.s32 s22, $0x9FC0;
	[tilespmem:s23+$0x5820] =	vst v0;
	s23 =	smov.u32 s22;
	s22 =	sadd.s32 $0x40, s22  }
.Ltmp2:
0x22: {  	(pc) =	sbr.rel @p0 .LBB2_2-.Ltmp2, $2  }
0x23: {  	_ =	sdelay $0x2  }
0x24: {  	s23 =	sshra.s32 s23, $0x2  }
0x25: {  	[tilespmem:s23+$0x5820] =	vst v0  }
0x26: {  	[spmem:s7] =	stream.linear.scatter [tilespmem:s14], [sflag:$0x5], $0x2800, $0x38;
	[tilespmem:$0xD020] =	vst v63  }
0x27: {  	_ =	swait.ge [sflag:s13], $0x2800  }
0x28: {  	[sflag:s13] =	ssyncset.done $0x0  }
0x29: {  	[sflag:s13] =	ssyncadd.s32 $0xFFFFD800  }
0x2a: {  	[tilespmem:s4], [sflag:$0x5] =	stream.linear.gather [hbm4b:s8+s4], $0x2710, $0x38;
	[tilespmem:$0xD020] =	vst v63  }
0x2b: {  	_ =	swait.ge [sflag:s13], $0x2710  }
0x2c: {  	[sflag:s13] =	ssyncset.done $0x0  }
0x2d: {  	[sflag:s13] =	ssyncadd.s32 $0xFFFFD8F0  }
0x2e: {  	[tilespmem:s15], [sflag:$0x5] =	stream.linear.gather [hbm4b:s9+s4], $0x2710, $0x38;
	[tilespmem:$0xD020] =	vst v63  }
0x2f: {  	_ =	swait.ge [sflag:s13], $0x2710  }
0x30: {  	[sflag:s13] =	ssyncset.done $0x0  }
0x31: {  	[sflag:s13] =	ssyncadd.s32 $0xFFFFD8F0  }
0x32: {  	[bflag:$0x0] =	sbarrier.arrive $0xFFFF  }
0x33: {  	[tilespmem:s17], [sflag:$0x1] =	stream.indirect.gather [spmem:s2], $0x10, s4, s16, $0xb8;
	[tilespmem:$0xD020] =	vst v63  }
0x34: {  	_ =	swait.ge [sflag:s18], $0x500  }
0x35: {  	[sflag:s18] =	ssyncset.done $0x0  }
0x36: {  	[sflag:s18] =	ssyncadd.s32 $0xFFFFFB00  }
0x37: {  	[tilespmem:s19], [sflag:$0x2] =	stream.indirect.gather [spmem:s2], $0x10, s16, s16, $0xb8;
	[tilespmem:$0xD020] =	vst v63  }
0x38: {  	s22 =	simm.s32 $0x2760;
	s23 =	simm.s32 $0x2;
	s24 =	simm.s32 $0xA0  }
0x39: {  	[spmem:s3] =	stream.indirect.scatter.add.f32 [tilespmem:s17], [sflag:$0x3], $0x10, s15, s16, $0xb8;
	[tilespmem:$0xD020] =	vst v63  }
.LBB2_4:
0x3a: {  	s25 =	sadd.s32 $0xFFFFFFFF, s23  }
0x3b: {  	s25 =	sand.u32 $0x1, s25  }
0x3c: {  	s28 =	sadd.s32 $0x1, s25  }
0x3d: {  	p0 =	sne.s32 s23, $0x7D;
	_ =	swait.ge [sflag:s28], $0x500  }
.Ltmp3:
0x3e: {  	s26 =	sand.u32 $0x1, s23;
	[sflag:s28] =	ssyncset.done $0x0;
	(pc) =	sbr.rel @!p0 .LBB2_5-.Ltmp3, $4  }
0x3f: {  	s30 =	sadd.s32 $0x3, s26;
	s29 =	smul.u32 $0x1400, s25;
	[sflag:s28] =	ssyncadd.s32 $0xFFFFFB00  }
0x40: {  	_ =	swait.ge [sflag:s30], $0x500  }
0x41: {  	s28 =	sshrl.u32 s29, $0x2;
	[sflag:s30] =	ssyncset.done $0x0  }
0x42: {  	s28 =	sadd.s32 $0x4E20, s28;
	[sflag:s30] =	ssyncadd.s32 $0xFFFFFB00  }
0x43: {  	s29 =	smul.u32 $0x1400, s26;
	_ =	sdelay $0x1  }
0x44: {  	s23 =	sadd.s32 $0x1, s23;
	s29 =	sshrl.u32 s29, $0x2  }
0x45: {  	s31 =	sadd.s32 $0x1, s26;
	p0 =	sne.s32 s23, $0x7E;
	s29 =	sadd.s32 $0x4E20, s29  }
0x46: {  	[tilespmem:s29], [sflag:s31] =	stream.indirect.gather [spmem:s2], $0x10, s24, s16, $0xb8;
	[tilespmem:$0xD020] =	vst v63  }
.Ltmp4:
0x47: {  	_ = 	snop;
	(pc) =	sbr.rel @p0 .LBB2_4-.Ltmp4, $4  }
.Ltmp5:
0x48: {  	_ = 	snop;
	(pc) =	sbr.rel @!p0 .LBB2_7-.Ltmp5, $4  }
0x49: {  	s25 =	sadd.s32 $0x3, s25  }
0x4a: {  	[spmem:s3] =	stream.indirect.scatter.add.f32 [tilespmem:s28], [sflag:s25], $0x10, s22, s16, $0xb8;
	[tilespmem:$0xD020] =	vst v63  }
0x4b: {  	s24 =	sadd.s32 $0x50, s24;
	s22 =	sadd.s32 $0x50, s22  }
0x4c: {  	_ = 	snop  }
.LBB2_8:
0x4d: {  	_ =	sfence.sel $0x180000  }
0x4e: {  	[bflag:$0x0] =	sbarrier.arrive $0xFFFF  }
0x4f: {  	p0 =	sne.s32 s0, $0x0;
	_ =	strace $0x9000004A  }
0x50: {  	s0 =	sadd.s32 @!p0 $0x100000, s1;
	[bflag:$0x2] =	sbarrier.arrive $0xFFFF  }
0x51: {  	[sflag:s0] =	ssyncadd.tile.s32 @!p0 $0x1;
	_ =	shalt  }
.Lfunc_end2:
_tile_overlayer_lowered:
.L_overlay_start_2:
0x52: {  	(tag) =	ssettag $0x2  }
0x53: {  	s0 =	rddreg [dreg:$0x0];
	s2 =	stileid.u32  }
0x54: {  	s1 =	rddreg [dreg:$0x1];
	p0 =	sne.s32 s2, $0x0  }
0x55: {  	s3 =	rddreg [dreg:$0x2];
	[bflag:$0x3] =	sbarrier.arrive $0xFFFF;
	s2 =	simm.s32 @!p0 $0x1C05  }
0x56: {  	[timem:s3], [sflag:s2] =	dma.local @!p0 [hbm:s0], s1  }
0x57: {  	s0 =	simm.s32 @!p0 $0x5  }
0x58: {  	_ =	swait.ge @!p0 [sflag:s0], s1  }
0x59: {  	s1 =	ssub.s32 @!p0 $0x0, s1;
	[sflag:s0] =	ssyncset.done @!p0 $0x0  }
0x5a: {  	[sflag:s0] =	ssyncadd.s32 @!p0 s1  }
0x5b: {  	[bflag:$0x3] =	sbarrier.arrive $0xFFFF  }
0x5c: {  	_ =	shalt  }

// kernel: kernel.14.cloned.1.call-start
scs
__scs_entry_jumppad:
0x0: {  	(pc) =	sbr.rel $0x88, $3  }
0x1: {  	(tag) =	ssettag $0x0;
	lr =	simm.s32 $0x1  }
0x2: {  	[smem:$0x3F9B] =	sst lr;
	_ =	strace $0xD0000000  }
0x3: {  	_ = 	snop  }
0x4: {  	_ = 	snop  }
0x5: {  	_ = 	snop  }
0x6: {  	_ = 	snop  }
0x7: {  	_ = 	snop  }
__scs_overlays_trampoline_lowered:
0x8: {  	[smem:$0x3FAA] =	sst s0  }
0x9: {  	[smem:$0x3FAB] =	sst s1  }
0xa: {  	[smem:$0x3FAC] =	sst s2  }
0xb: {  	[smem:$0x3FAD] =	sst s3  }
0xc: {  	[smem:$0x3FAE] =	sst s4  }
0xd: {  	[smem:$0x3FAF] =	sst s5  }
0xe: {  	[smem:$0x3FB0] =	sst s6  }
0xf: {  	[smem:$0x3FB1] =	sst s7  }
0x10: {  	[smem:$0x3FB2] =	sst s8  }
0x11: {  	[smem:$0x3FB3] =	sst s9;
	s0 =	simm.s32 @!p0 $0x0  }
0x12: {  	s1 =	sld [smem:$0x3F99];
	s0 =	simm.s32 @p0 $0x1  }
0x13: {  	[smem:$0x3FB4] =	sst s0;
	s0 =	simm.s32 @!p1 $0x0  }
0x14: {  	s2 =	sld [smem:$0x3F98];
	s0 =	simm.s32 @p1 $0x1  }
0x15: {  	[smem:$0x3FB5] =	sst s0;
	s0 =	simm.s32 @!p2 $0x0  }
0x16: {  	s3 =	sld [smem:$0x3FDB];
	s0 =	simm.s32 @p2 $0x1  }
0x17: {  	s4 =	simm.s32 $0x1BF5;
	[smem:$0x3FB7] =	sst s0  }
0x18: {  	s0 =	sld [smem:$0x3F9A];
	_ =	swait.ge [sflag:s4], $0x0  }
0x19: {  	s7 =	sld [smem:$0x3F9B]  }
0x1a: {  	s8 =	sadd.s32 $0xFFFFE003, lr  }
0x1b: {  	s9 =	sadd.s32 $0xFFFFFEF7, lr;
	s5 =	simm.s32 $0xFFFFFFFF;
	p2 =	slt.u32 s8, $0xFFFFF086  }
0x1c: {  	p1 =	slt.u32 s9, $0xF7A;
	s5 =	simm.s32 @!p2 $0x0  }
0x1d: {  	s5 =	simm.s32 @p1 $0x1;
	p0 =	seq.s32 s7, s2  }
0x1e: {  	s7 =	smul.u32 @!p0 $0xF7A, s2;
	p2 =	seq.s32 @!p0 s5, $0x0  }
0x1f: {  	s9 =	smul.u32 $0xF7A, s1;
	s8 =	simm.s32 @!p0 $0x1BF5;
	p2 =	por !p2, p0  }
0x20: {  	[sflag:s8] =	ssyncset.s32 @!p0 $0xFFFFF086;
	s6 =	sadd.s32 @!p0 s3, s7;
	s7 =	simm.s32 @!p0 $0x108  }
0x21: {  	s3 =	sadd.s32 s3, s9;
	s6 =	sadd.s32 @!p0 $0x88, s6;
	s7 =	simm.s32 @p2 $0x1082  }
0x22: {  	[simem:s7], [sflag:s8] =	dma.local @!p0 [hbm:s6], $0xF7A  }
0x23: {  	s9 =	sor.u32 $0xD0000000, s2;
	s6 =	simm.s32 $0x108;
	_ =	swait.ge @!p0 [sflag:s8], $0x0  }
0x24: {  	s3 =	sadd.s32 $0x88, s3;
	s6 =	simm.s32 @!p1 $0x1082;
	[sflag:s4] =	ssyncset.s32 $0xFFFFF086  }
0x25: {  	[simem:s6], [sflag:s4] =	dma.local [hbm:s3], $0xF7A  }
0x26: {  	[smem:$0x3F9B] =	sst s1;
	(tag) =	ssettag s2;
	_ =	strace s9  }
0x27: {  	s1 =	sld [smem:$0x3FAB]  }
0x28: {  	s2 =	sld [smem:$0x3FAC]  }
0x29: {  	s4 =	sld [smem:$0x3FAE]  }
0x2a: {  	p0 =	seq.s32 s5, $0x0;
	s5 =	sld [smem:$0x3FAF]  }
0x2b: {  	s6 =	sld [smem:$0x3FB0]  }
0x2c: {  	s7 =	sld [smem:$0x3FB1]  }
0x2d: {  	s3 =	simm.s32 $0x108;
	s8 =	sld [smem:$0x3FB2]  }
0x2e: {  	s3 =	simm.s32 @!p0 $0x1082;
	s9 =	sld [smem:$0x3FB3]  }
0x2f: {  	lr =	sadd.s32 s0, s3;
	s0 =	sld [smem:$0x3FAA]  }
0x30: {  	s3 =	sld [smem:$0x3FAD]  }
0x31: {  	[smem:$0x3FB6] =	sst s10  }
0x32: {  	s10 =	sld [smem:$0x3FB4];
	_ =	sdelay $0x3  }
0x33: {  	p0 =	seq.s32 s10, $0x1;
	s10 =	sld [smem:$0x3FB6];
	_ =	sdelay $0x3  }
0x34: {  	[smem:$0x3FB6] =	sst s10  }
0x35: {  	s10 =	sld [smem:$0x3FB5];
	_ =	sdelay $0x3  }
0x36: {  	p1 =	seq.s32 s10, $0x1;
	s10 =	sld [smem:$0x3FB6];
	_ =	sdelay $0x3  }
0x37: {  	[smem:$0x3FB6] =	sst s10  }
0x38: {  	s10 =	sld [smem:$0x3FB7]  }
0x39: {  	_ = 	snop;
	(pc) =	sbr.ind lr, $3  }
0x3a: {  	_ = 	snop  }
0x3b: {  	_ = 	snop  }
0x3c: {  	p2 =	seq.s32 s10, $0x1;
	s10 =	sld [smem:$0x3FB6]  }
0x3d: {  	_ =	shalt  }
0x3e: {  	_ =	shalt  }
0x3f: {  	_ =	shalt  }
0x40: {  	_ =	shalt  }
0x41: {  	_ =	shalt  }
0x42: {  	_ =	shalt  }
0x43: {  	_ =	shalt  }
0x44: {  	_ =	shalt  }
0x45: {  	_ =	shalt  }
0x46: {  	_ =	shalt  }
0x47: {  	_ =	shalt  }
0x48: {  	_ =	shalt  }
0x49: {  	_ =	shalt  }
0x4a: {  	_ =	shalt  }
0x4b: {  	_ =	shalt  }
0x4c: {  	_ =	shalt  }
0x4d: {  	_ =	shalt  }
0x4e: {  	_ =	shalt  }
0x4f: {  	_ =	shalt  }
0x50: {  	_ =	shalt  }
0x51: {  	_ =	shalt  }
0x52: {  	_ =	shalt  }
0x53: {  	_ =	shalt  }
0x54: {  	_ =	shalt  }
0x55: {  	_ =	shalt  }
0x56: {  	_ =	shalt  }
0x57: {  	_ =	shalt  }
0x58: {  	_ =	shalt  }
0x59: {  	_ =	shalt  }
0x5a: {  	_ =	shalt  }
0x5b: {  	_ =	shalt  }
0x5c: {  	_ =	shalt  }
0x5d: {  	_ =	shalt  }
0x5e: {  	_ =	shalt  }
0x5f: {  	_ =	shalt  }
0x60: {  	_ =	shalt  }
0x61: {  	_ =	shalt  }
0x62: {  	_ =	shalt  }
0x63: {  	_ =	shalt  }
0x64: {  	_ =	shalt  }
0x65: {  	_ =	shalt  }
0x66: {  	_ =	shalt  }
0x67: {  	_ =	shalt  }
0x68: {  	_ =	shalt  }
0x69: {  	_ =	shalt  }
0x6a: {  	_ =	shalt  }
0x6b: {  	_ =	shalt  }
0x6c: {  	_ =	shalt  }
0x6d: {  	_ =	shalt  }
0x6e: {  	_ =	shalt  }
0x6f: {  	_ =	shalt  }
0x70: {  	_ =	shalt  }
0x71: {  	_ =	shalt  }
0x72: {  	_ =	shalt  }
0x73: {  	_ =	shalt  }
0x74: {  	_ =	shalt  }
0x75: {  	_ =	shalt  }
0x76: {  	_ =	shalt  }
0x77: {  	_ =	shalt  }
0x78: {  	_ =	shalt  }
0x79: {  	_ =	shalt  }
0x7a: {  	_ =	shalt  }
0x7b: {  	_ =	shalt  }
0x7c: {  	_ =	shalt  }
0x7d: {  	_ =	shalt  }
0x7e: {  	_ =	shalt  }
0x7f: {  	_ =	shalt  }
0x80: {  	_ =	shalt  }
0x81: {  	_ =	shalt  }
0x82: {  	_ =	shalt  }
0x83: {  	_ =	shalt  }
0x84: {  	_ =	shalt  }
0x85: {  	_ =	shalt  }
0x86: {  	_ =	shalt  }
0x87: {  	_ =	shalt  }
.Lfunc_end0:
.L_simem_size_0:
called_computation.2_lowered:
.L_overlay_start_0:
0x88: {  	s2 =	sld [smem:$0x3FD9]  }
0x89: {  	s3 =	sld [smem:$0x3FFE];
	_ =	sdelay $0x1  }
0x8a: {  	s1 =	srdreg.scid  }
0x8b: {  	s0 =	sand.u32 $0x1, s1  }
0x8c: {  	s16 =	sshll.u32 s0, $0xA;
	s2 =	sadd.s32 s3, s2  }
0x8d: {  	s2 =	sadd.s32 s2, s16  }
0x8e: {  	[smem:$0x3FC2] =	sst s2  }
0x8f: {  	_ = 	snop  }
0x90: {  	(tm) =	ssettm $0x1  }
0x91: {  	s17 =	sld [smem:$0x3FFB];
	_ =	sdelay $0x3  }
0x92: {  	_ =	strace s17  }
0x93: {  	s2 =	sld [smem:$0x3FFC];
	_ =	sdelay $0x3  }
0x94: {  	_ =	strace s2  }
0x95: {  	s2 =	sld [smem:$0x3FFD];
	_ =	sdelay $0x3  }
0x96: {  	_ =	strace s2  }
0x97: {  	_ =	strace $0x8FFFFFFF  }
0x98: {  	s18 =	sld [smem:$0x3FDB];
	_ =	sdelay $0x1  }
0x99: {  	s19 =	simm.s32 $_scs_section_size  }
0x9a: {  	s4 =	simm.s32 $_size__tile_overlayer_lowered;
	s5 =	simm.s32 $_tile_overlayer_lowered  }
0x9b: {  	s22 =	simm.s32 $0x1BFF;
	s21 =	sshll.u32 s5, $0x1;
	s2 =	sadd.s32 s19, s18  }
0x9c: {  	s6 =	simm.s32 $0x0;
	s20 =	sshll.u32 s4, $0x1;
	s4 =	sadd.s32 s21, s2  }
0x9d: {  	[timem:s6], [sflag:s22] =	dma.local [hbm:s4], s20  }
0x9e: {  	_ =	swait.ge [sflag:s22], s20  }
0x9f: {  	s3 =	ssub.s32 $0x0, s20;
	[sflag:s22] =	ssyncset.done $0x0  }
0xa0: {  	[sflag:s22] =	ssyncadd.s32 s3;
	_ =	sdelay $0x1  }
0xa1: {  	s23 =	simm.s32 $0x1B8B  }
0xa2: {  	_ =	swait.ge [sflag:s23], $0x1  }
0xa3: {  	[sflag:s23] =	ssyncset.done $0x0  }
0xa4: {  	s25 =	simm.s32 $0x1B8E;
	s24 =	sld [smem:$0x3FFE];
	[sflag:s23] =	ssyncadd.s32 $0xFFFFFFFF  }
0xa5: {  	s26 =	simm.s32 $execute0_lowered;
	[smem:$0x3FD2] =	sst s25  }
0xa6: {  	s4 =	sshll.u32 s26, $0x1;
	_ =	strace $0x8000004C;
	[dreg:$0x1] =	wrdreg $0xFFFFFFFF  }
0xa7: {  	s28 =	simm.s32 $_size_execute0_lowered;
	s2 =	sadd.s32 s2, s4;
	[dreg:$0x0] =	wrdreg $0x0  }
0xa8: {  	s4 =	sshll.u32 s28, $0x1;
	[dreg:$0x2] =	wrdreg s2  }
0xa9: {  	[dreg:$0x3] =	wrdreg s4  }
0xaa: {  	[dreg:$0x4] =	wrdreg $0xC0  }
0xab: {  	_ =	task [dreg:s6], $0x5FFFF  }
0xac: {  	[dreg:$0x1] =	wrdreg $0xFFFFFFFF  }
0xad: {  	[dreg:$0x0] =	wrdreg $0x60  }
0xae: {  	[dreg:$0x2] =	wrdreg s24  }
0xaf: {  	[dreg:$0x3] =	wrdreg $0x15C200  }
0xb0: {  	[dreg:$0x4] =	wrdreg $0xE4200  }
0xb1: {  	[dreg:$0x5] =	wrdreg $0x9  }
0xb2: {  	_ =	task.clear_ibuf [dreg:s6], $0x6FFFF;
	_ =	strace $0x9000004C  }
0xb3: {  	s29 =	simm.s32 $0x9;
	_ =	strace $0x8000004E  }
0xb4: {  	_ =	swait.ge [sflag:s29], $0x1  }
0xb5: {  	[sflag:s29] =	ssyncadd.s32 $0xFFFFFFFF  }
0xb6: {  	_ =	strace $0x9000004E  }
0xb7: {  	_ =	sfence  }
0xb8: {  	s30 =	sld [smem:$0x0];
	_ =	sdelay $0x2  }
0xb9: {  	s31 =	sshll.u32 s1, $0xD;
	s1 =	sshrl.u32 s1, $0x2  }
0xba: {  	s3 =	sand.u32 $0x4000, s31;
	s1 =	sadd.s32 s1, s30  }
0xbb: {  	s0 =	sor.u32 s3, s0;
	s1 =	sshll.u32 s1, $0x11  }
0xbc: {  	s0 =	sor.u32 s1, s0  }
0xbd: {  	s0 =	sadd.s32 $0x8F2B, s0  }
0xbe: {  	[sflag:s0] =	ssyncadd.remote.s32 $0x1  }
0xbf: {  	_ =	sfence.sel $0xFFFF  }
0xc0: {  	[dreg:$0x0] =	wrdreg $0xFFFFFFFF;
	(pc) =	sbr.abs _section_cstart, $3  }
0xc1: {  	[dreg:$0x1] =	wrdreg $0xFFFFFFFF  }
0xc2: {  	_ =	task.clear_ibuf [dreg:s6], $0x2FFFF;
	_ =	strace $0x9FFFFFFF  }
0xc3: {  	(tm) =	ssettm $0x7FFFFFFF  }
tec
execute0_lowered:
.L_overlay_start_1:
0x0: {  	(tag) =	ssettag $0x1  }
0x1: {  	s5 =	rddreg [dreg:$0x0]  }
0x2: {  	s2 =	rddreg [dreg:$0x1]  }
0x3: {  	s3 =	rddreg [dreg:$0x2]  }
0x4: {  	s0 =	stileid.u32;
	s1 =	rddreg [dreg:$0x3]  }
0x5: {  	s7 =	srdreg.scid;
	s16 =	simm.s32 $0x50;
	s17 =	simm.s32 $0x4E20  }
0x6: {  	s18 =	simm.s32 $0x1;
	s19 =	simm.s32 $0x5D20;
	s20 =	simm.s32 $0x3  }
0x7: {  	s21 =	simm.s32 $0x0;
	s4 =	smul.u32 $0x280, s0;
	s7 =	sand.u32 $0x1, s7  }
0x8: {  	s8 =	sshll.u32 s0, $0x1;
	s9 =	smul.u32 $0x7800, s0;
	s31 =	sshll.u32 s0, $0x6  }
0x9: {  	s8 =	sor.u32 s7, s8;
	s10 =	smul.u32 $0x78000, s7;
	s7 =	ssub.s32 $0x2, s7  }
0xa: {  	s6 =	smin.u32 s4, $0x2490;
	s4 =	simm.s32 $0x0;
	s8 =	smul.u32 $0x4E2, s8  }
0xb: {  	s30 =	sshrl.u32 s7, $0x1;
	s6 =	smul.u32 $0x30, s6;
	[smem:$0x7FF] =	sst s4  }
0xc: {  	s10 =	sadd.s32 s9, s10;
	s14 =	ssub.s32 s7, s30;
	s7 =	sadd.s32 s9, s3  }
0xd: {  	_ =	strace $0x8000004D;
	s12 =	sadd.s32 s8, s5;
	s29 =	sshrl.u32 s10, $0x3  }
.Ltmp0:
0xe: {  	s11 =	sshrl.u32 s6, $0x3;
	s13 =	sadd.s32 s29, s5;
	(pc) =	sbr.rel .LBB2_1-.Ltmp0, $4  }
0xf: {  	s15 =	sadd.s32 s6, s2;
	s6 =	sor.u32 $0x1C05, s31;
	s8 =	sadd.s32 $0x1600, s12  }
0x10: {  	s9 =	sadd.s32 $0xB400, s12;
	s11 =	sadd.s32 s11, s5;
	s10 =	sadd.s32 $0x23E00, s13  }
0x11: {  	s12 =	sshrl.u32 s15, $0x3;
	s13 =	simm.s32 $0x5;
	s15 =	simm.s32 $0x2710  }
0x12: {  	v0 =	vimm.f32 $0.0e+00;
	s5 =	sadd.s32 $0x15200, s11;
	s11 =	smax.u32 s14, $0x1;
	s14 =	simm.s32 $0x6C20  }
.LBB2_5:
0x13: {  	s23 =	sadd.s32 $0x3, s25  }
0x14: {  	[spmem:s3] =	stream.indirect.scatter.add.f32 [tilespmem:s28], [sflag:s23], $0x30, s22, s16, $0xb8;
	[tilespmem:$0x1D420] =	vst v63  }
.LBB2_7:
0x15: {  	_ =	swait.ge [sflag:s20], $0xF00  }
0x16: {  	s21 =	sadd.s32 $0x1, s21;
	[sflag:s20] =	ssyncset.done $0x0  }
0x17: {  	p0 =	sne.s32 s21, s11;
	[sflag:s20] =	ssyncadd.s32 $0xFFFFF100  }
.Ltmp1:
0x18: {  	s22 =	sshrl.u32 s7, $0x3;
	[bflag:$0x0] =	sbarrier.arrive $0xFFFF;
	(pc) =	sbr.rel @!p0 .LBB2_8-.Ltmp1, $4  }
0x19: {  	[hbm:s10], [sflag:s6] =	dma.local [spmem:s22], $0xF00  }
0x1a: {  	_ =	swait.ge [sflag:s13], $0xF00  }
0x1b: {  	[sflag:s13] =	ssyncset.done $0x0  }
0x1c: {  	[sflag:s13] =	ssyncadd.s32 $0xFFFFF100  }
.LBB2_1:
0x1d: {  	[spmem:s12], [sflag:s6] =	dma.local [hbm:s5], $0xF00  }
0x1e: {  	_ =	swait.ge [sflag:s13], $0xF00  }
0x1f: {  	[sflag:s13] =	ssyncset.done $0x0  }
0x20: {  	s22 =	simm.s32 $0xC0;
	s23 =	simm.s32 $0x0;
	[sflag:s13] =	ssyncadd.s32 $0xFFFFF100  }
.LBB2_2:
0x21: {  	p0 =	sne.s32 s22, $0x1DF40;
	[tilespmem:s23+$0x6C40] =	vst v0;
	s24 =	smov.u32 s22;
	s22 =	sadd.s32 $0xC0, s22  }
.Ltmp2:
0x22: {  	[tilespmem:s23+$0x6C20] =	vst v0;
	(pc) =	sbr.rel @p0 .LBB2_2-.Ltmp2, $2  }
0x23: {  	[tilespmem:s23+$0x6C30] =	vst v0;
	_ =	sdelay $0x2  }
0x24: {  	s23 =	sshra.s32 s24, $0x2  }
0x25: {  	[tilespmem:s23+$0x6C40] =	vst v0  }
0x26: {  	[tilespmem:s23+$0x6C20] =	vst v0  }
0x27: {  	[tilespmem:s23+$0x6C30] =	vst v0  }
0x28: {  	[spmem:s7] =	stream.linear.scatter [tilespmem:s14], [sflag:$0x5], $0x7800, $0x38;
	[tilespmem:$0x1D420] =	vst v63  }
0x29: {  	_ =	swait.ge [sflag:s13], $0x7800  }
0x2a: {  	[sflag:s13] =	ssyncset.done $0x0  }
0x2b: {  	[sflag:s13] =	ssyncadd.s32 $0xFFFF8800  }
0x2c: {  	[tilespmem:s4], [sflag:$0x5] =	stream.linear.gather [hbm4b:s8+s4], $0x2710, $0x38;
	[tilespmem:$0x1D420] =	vst v63  }
0x2d: {  	_ =	swait.ge [sflag:s13], $0x2710  }
0x2e: {  	[sflag:s13] =	ssyncset.done $0x0  }
0x2f: {  	[sflag:s13] =	ssyncadd.s32 $0xFFFFD8F0  }
0x30: {  	[tilespmem:s15], [sflag:$0x5] =	stream.linear.gather [hbm4b:s9+s4], $0x2710, $0x38;
	[tilespmem:$0x1D420] =	vst v63  }
0x31: {  	_ =	swait.ge [sflag:s13], $0x2710  }
0x32: {  	[sflag:s13] =	ssyncset.done $0x0  }
0x33: {  	[sflag:s13] =	ssyncadd.s32 $0xFFFFD8F0  }
0x34: {  	[bflag:$0x0] =	sbarrier.arrive $0xFFFF  }
0x35: {  	[tilespmem:s17], [sflag:$0x1] =	stream.indirect.gather [spmem:s2], $0x30, s4, s16, $0xb8;
	[tilespmem:$0x1D420] =	vst v63  }
0x36: {  	_ =	swait.ge [sflag:s18], $0xF00  }
0x37: {  	[sflag:s18] =	ssyncset.done $0x0  }
0x38: {  	[sflag:s18] =	ssyncadd.s32 $0xFFFFF100  }
0x39: {  	[tilespmem:s19], [sflag:$0x2] =	stream.indirect.gather [spmem:s2], $0x30, s16, s16, $0xb8;
	[tilespmem:$0x1D420] =	vst v63  }
0x3a: {  	s22 =	simm.s32 $0x2760;
	s23 =	simm.s32 $0x2;
	s24 =	simm.s32 $0xA0  }
0x3b: {  	[spmem:s3] =	stream.indirect.scatter.add.f32 [tilespmem:s17], [sflag:$0x3], $0x30, s15, s16, $0xb8;
	[tilespmem:$0x1D420] =	vst v63  }
.LBB2_4:
0x3c: {  	s25 =	sadd.s32 $0xFFFFFFFF, s23  }
0x3d: {  	s25 =	sand.u32 $0x1, s25  }
0x3e: {  	s28 =	sadd.s32 $0x1, s25  }
0x3f: {  	p0 =	sne.s32 s23, $0x7D;
	_ =	swait.ge [sflag:s28], $0xF00  }
.Ltmp3:
0x40: {  	s26 =	sand.u32 $0x1, s23;
	[sflag:s28] =	ssyncset.done $0x0;
	(pc) =	sbr.rel @!p0 .LBB2_5-.Ltmp3, $4  }
0x41: {  	s30 =	sadd.s32 $0x3, s26;
	s29 =	smul.u32 $0x3C00, s25;
	[sflag:s28] =	ssyncadd.s32 $0xFFFFF100  }
0x42: {  	_ =	swait.ge [sflag:s30], $0xF00  }
0x43: {  	s28 =	sshrl.u32 s29, $0x2;
	[sflag:s30] =	ssyncset.done $0x0  }
0x44: {  	s28 =	sadd.s32 $0x4E20, s28;
	[sflag:s30] =	ssyncadd.s32 $0xFFFFF100  }
0x45: {  	s29 =	smul.u32 $0x3C00, s26;
	_ =	sdelay $0x1  }
0x46: {  	s23 =	sadd.s32 $0x1, s23;
	s29 =	sshrl.u32 s29, $0x2  }
0x47: {  	s31 =	sadd.s32 $0x1, s26;
	p0 =	sne.s32 s23, $0x7E;
	s29 =	sadd.s32 $0x4E20, s29  }
0x48: {  	[tilespmem:s29], [sflag:s31] =	stream.indirect.gather [spmem:s2], $0x30, s24, s16, $0xb8;
	[tilespmem:$0x1D420] =	vst v63  }
.Ltmp4:
0x49: {  	_ = 	snop;
	(pc) =	sbr.rel @p0 .LBB2_4-.Ltmp4, $4  }
.Ltmp5:
0x4a: {  	_ = 	snop;
	(pc) =	sbr.rel @!p0 .LBB2_7-.Ltmp5, $4  }
0x4b: {  	s25 =	sadd.s32 $0x3, s25  }
0x4c: {  	[spmem:s3] =	stream.indirect.scatter.add.f32 [tilespmem:s28], [sflag:s25], $0x30, s22, s16, $0xb8;
	[tilespmem:$0x1D420] =	vst v63  }
0x4d: {  	s24 =	sadd.s32 $0x50, s24;
	s22 =	sadd.s32 $0x50, s22  }
0x4e: {  	_ = 	snop  }
.LBB2_8:
0x4f: {  	_ =	sfence.sel $0x180000  }
0x50: {  	[bflag:$0x0] =	sbarrier.arrive $0xFFFF  }
0x51: {  	p0 =	sne.s32 s0, $0x0;
	_ =	strace $0x9000004D  }
0x52: {  	s0 =	sadd.s32 @!p0 $0x100000, s1;
	[bflag:$0x2] =	sbarrier.arrive $0xFFFF  }
0x53: {  	[sflag:s0] =	ssyncadd.tile.s32 @!p0 $0x1;
	_ =	shalt  }
.Lfunc_end2:
_tile_overlayer_lowered:
.L_overlay_start_2:
0x54: {  	(tag) =	ssettag $0x2  }
0x55: {  	s0 =	rddreg [dreg:$0x0];
	s2 =	stileid.u32  }
0x56: {  	s1 =	rddreg [dreg:$0x1];
	p0 =	sne.s32 s2, $0x0  }
0x57: {  	s3 =	rddreg [dreg:$0x2];
	[bflag:$0x3] =	sbarrier.arrive $0xFFFF;
	s2 =	simm.s32 @!p0 $0x1C05  }
0x58: {  	[timem:s3], [sflag:s2] =	dma.local @!p0 [hbm:s0], s1  }
0x59: {  	s0 =	simm.s32 @!p0 $0x5  }
0x5a: {  	_ =	swait.ge @!p0 [sflag:s0], s1  }
0x5b: {  	s1 =	ssub.s32 @!p0 $0x0, s1;
	[sflag:s0] =	ssyncset.done @!p0 $0x0  }
0x5c: {  	[sflag:s0] =	ssyncadd.s32 @!p0 s1  }
0x5d: {  	[bflag:$0x3] =	sbarrier.arrive $0xFFFF  }
0x5e: {  	_ =	shalt  }

// kernel: kernel.8.cloned.1.call-start
scs
__scs_entry_jumppad:
0x0: {  	(pc) =	sbr.rel $0x88, $3  }
0x1: {  	(tag) =	ssettag $0x0;
	lr =	simm.s32 $0x1  }
0x2: {  	[smem:$0x3F9B] =	sst lr;
	_ =	strace $0xD0000000  }
0x3: {  	_ = 	snop  }
0x4: {  	_ = 	snop  }
0x5: {  	_ = 	snop  }
0x6: {  	_ = 	snop  }
0x7: {  	_ = 	snop  }
__scs_overlays_trampoline_lowered:
0x8: {  	[smem:$0x3FAA] =	sst s0  }
0x9: {  	[smem:$0x3FAB] =	sst s1  }
0xa: {  	[smem:$0x3FAC] =	sst s2  }
0xb: {  	[smem:$0x3FAD] =	sst s3  }
0xc: {  	[smem:$0x3FAE] =	sst s4  }
0xd: {  	[smem:$0x3FAF] =	sst s5  }
0xe: {  	[smem:$0x3FB0] =	sst s6  }
0xf: {  	[smem:$0x3FB1] =	sst s7  }
0x10: {  	[smem:$0x3FB2] =	sst s8  }
0x11: {  	[smem:$0x3FB3] =	sst s9;
	s0 =	simm.s32 @!p0 $0x0  }
0x12: {  	s1 =	sld [smem:$0x3F99];
	s0 =	simm.s32 @p0 $0x1  }
0x13: {  	[smem:$0x3FB4] =	sst s0;
	s0 =	simm.s32 @!p1 $0x0  }
0x14: {  	s2 =	sld [smem:$0x3F98];
	s0 =	simm.s32 @p1 $0x1  }
0x15: {  	[smem:$0x3FB5] =	sst s0;
	s0 =	simm.s32 @!p2 $0x0  }
0x16: {  	s3 =	sld [smem:$0x3FDB];
	s0 =	simm.s32 @p2 $0x1  }
0x17: {  	s4 =	simm.s32 $0x1BF5;
	[smem:$0x3FB7] =	sst s0  }
0x18: {  	s0 =	sld [smem:$0x3F9A];
	_ =	swait.ge [sflag:s4], $0x0  }
0x19: {  	s7 =	sld [smem:$0x3F9B]  }
0x1a: {  	s8 =	sadd.s32 $0xFFFFE003, lr  }
0x1b: {  	s9 =	sadd.s32 $0xFFFFFEF7, lr;
	s5 =	simm.s32 $0xFFFFFFFF;
	p2 =	slt.u32 s8, $0xFFFFF086  }
0x1c: {  	p1 =	slt.u32 s9, $0xF7A;
	s5 =	simm.s32 @!p2 $0x0  }
0x1d: {  	s5 =	simm.s32 @p1 $0x1;
	p0 =	seq.s32 s7, s2  }
0x1e: {  	s7 =	smul.u32 @!p0 $0xF7A, s2;
	p2 =	seq.s32 @!p0 s5, $0x0  }
0x1f: {  	s9 =	smul.u32 $0xF7A, s1;
	s8 =	simm.s32 @!p0 $0x1BF5;
	p2 =	por !p2, p0  }
0x20: {  	[sflag:s8] =	ssyncset.s32 @!p0 $0xFFFFF086;
	s6 =	sadd.s32 @!p0 s3, s7;
	s7 =	simm.s32 @!p0 $0x108  }
0x21: {  	s3 =	sadd.s32 s3, s9;
	s6 =	sadd.s32 @!p0 $0x88, s6;
	s7 =	simm.s32 @p2 $0x1082  }
0x22: {  	[simem:s7], [sflag:s8] =	dma.local @!p0 [hbm:s6], $0xF7A  }
0x23: {  	s9 =	sor.u32 $0xD0000000, s2;
	s6 =	simm.s32 $0x108;
	_ =	swait.ge @!p0 [sflag:s8], $0x0  }
0x24: {  	s3 =	sadd.s32 $0x88, s3;
	s6 =	simm.s32 @!p1 $0x1082;
	[sflag:s4] =	ssyncset.s32 $0xFFFFF086  }
0x25: {  	[simem:s6], [sflag:s4] =	dma.local [hbm:s3], $0xF7A  }
0x26: {  	[smem:$0x3F9B] =	sst s1;
	(tag) =	ssettag s2;
	_ =	strace s9  }
0x27: {  	s1 =	sld [smem:$0x3FAB]  }
0x28: {  	s2 =	sld [smem:$0x3FAC]  }
0x29: {  	s4 =	sld [smem:$0x3FAE]  }
0x2a: {  	p0 =	seq.s32 s5, $0x0;
	s5 =	sld [smem:$0x3FAF]  }
0x2b: {  	s6 =	sld [smem:$0x3FB0]  }
0x2c: {  	s7 =	sld [smem:$0x3FB1]  }
0x2d: {  	s3 =	simm.s32 $0x108;
	s8 =	sld [smem:$0x3FB2]  }
0x2e: {  	s3 =	simm.s32 @!p0 $0x1082;
	s9 =	sld [smem:$0x3FB3]  }
0x2f: {  	lr =	sadd.s32 s0, s3;
	s0 =	sld [smem:$0x3FAA]  }
0x30: {  	s3 =	sld [smem:$0x3FAD]  }
0x31: {  	[smem:$0x3FB6] =	sst s10  }
0x32: {  	s10 =	sld [smem:$0x3FB4];
	_ =	sdelay $0x3  }
0x33: {  	p0 =	seq.s32 s10, $0x1;
	s10 =	sld [smem:$0x3FB6];
	_ =	sdelay $0x3  }
0x34: {  	[smem:$0x3FB6] =	sst s10  }
0x35: {  	s10 =	sld [smem:$0x3FB5];
	_ =	sdelay $0x3  }
0x36: {  	p1 =	seq.s32 s10, $0x1;
	s10 =	sld [smem:$0x3FB6];
	_ =	sdelay $0x3  }
0x37: {  	[smem:$0x3FB6] =	sst s10  }
0x38: {  	s10 =	sld [smem:$0x3FB7]  }
0x39: {  	_ = 	snop;
	(pc) =	sbr.ind lr, $3  }
0x3a: {  	_ = 	snop  }
0x3b: {  	_ = 	snop  }
0x3c: {  	p2 =	seq.s32 s10, $0x1;
	s10 =	sld [smem:$0x3FB6]  }
0x3d: {  	_ =	shalt  }
0x3e: {  	_ =	shalt  }
0x3f: {  	_ =	shalt  }
0x40: {  	_ =	shalt  }
0x41: {  	_ =	shalt  }
0x42: {  	_ =	shalt  }
0x43: {  	_ =	shalt  }
0x44: {  	_ =	shalt  }
0x45: {  	_ =	shalt  }
0x46: {  	_ =	shalt  }
0x47: {  	_ =	shalt  }
0x48: {  	_ =	shalt  }
0x49: {  	_ =	shalt  }
0x4a: {  	_ =	shalt  }
0x4b: {  	_ =	shalt  }
0x4c: {  	_ =	shalt  }
0x4d: {  	_ =	shalt  }
0x4e: {  	_ =	shalt  }
0x4f: {  	_ =	shalt  }
0x50: {  	_ =	shalt  }
0x51: {  	_ =	shalt  }
0x52: {  	_ =	shalt  }
0x53: {  	_ =	shalt  }
0x54: {  	_ =	shalt  }
0x55: {  	_ =	shalt  }
0x56: {  	_ =	shalt  }
0x57: {  	_ =	shalt  }
0x58: {  	_ =	shalt  }
0x59: {  	_ =	shalt  }
0x5a: {  	_ =	shalt  }
0x5b: {  	_ =	shalt  }
0x5c: {  	_ =	shalt  }
0x5d: {  	_ =	shalt  }
0x5e: {  	_ =	shalt  }
0x5f: {  	_ =	shalt  }
0x60: {  	_ =	shalt  }
0x61: {  	_ =	shalt  }
0x62: {  	_ =	shalt  }
0x63: {  	_ =	shalt  }
0x64: {  	_ =	shalt  }
0x65: {  	_ =	shalt  }
0x66: {  	_ =	shalt  }
0x67: {  	_ =	shalt  }
0x68: {  	_ =	shalt  }
0x69: {  	_ =	shalt  }
0x6a: {  	_ =	shalt  }
0x6b: {  	_ =	shalt  }
0x6c: {  	_ =	shalt  }
0x6d: {  	_ =	shalt  }
0x6e: {  	_ =	shalt  }
0x6f: {  	_ =	shalt  }
0x70: {  	_ =	shalt  }
0x71: {  	_ =	shalt  }
0x72: {  	_ =	shalt  }
0x73: {  	_ =	shalt  }
0x74: {  	_ =	shalt  }
0x75: {  	_ =	shalt  }
0x76: {  	_ =	shalt  }
0x77: {  	_ =	shalt  }
0x78: {  	_ =	shalt  }
0x79: {  	_ =	shalt  }
0x7a: {  	_ =	shalt  }
0x7b: {  	_ =	shalt  }
0x7c: {  	_ =	shalt  }
0x7d: {  	_ =	shalt  }
0x7e: {  	_ =	shalt  }
0x7f: {  	_ =	shalt  }
0x80: {  	_ =	shalt  }
0x81: {  	_ =	shalt  }
0x82: {  	_ =	shalt  }
0x83: {  	_ =	shalt  }
0x84: {  	_ =	shalt  }
0x85: {  	_ =	shalt  }
0x86: {  	_ =	shalt  }
0x87: {  	_ =	shalt  }
.Lfunc_end0:
.L_simem_size_0:
called_computation_lowered:
.L_overlay_start_0:
0x88: {  	s2 =	sld [smem:$0x3FD9]  }
0x89: {  	s3 =	sld [smem:$0x3FFE];
	_ =	sdelay $0x1  }
0x8a: {  	s1 =	srdreg.scid  }
0x8b: {  	s0 =	sand.u32 $0x1, s1  }
0x8c: {  	s17 =	sshll.u32 s0, $0xA;
	s2 =	sadd.s32 s3, s2  }
0x8d: {  	s2 =	sadd.s32 s2, s17  }
0x8e: {  	[smem:$0x3FC2] =	sst s2  }
0x8f: {  	_ = 	snop  }
0x90: {  	s2 =	sld [smem:$0x3FD0];
	(tm) =	ssettm $0x1  }
0x91: {  	s18 =	sld [smem:$0x3FFB];
	_ =	sdelay $0x3  }
0x92: {  	_ =	strace s18  }
0x93: {  	s3 =	sld [smem:$0x3FFC];
	_ =	sdelay $0x3  }
0x94: {  	_ =	strace s3  }
0x95: {  	s3 =	sld [smem:$0x3FFD];
	_ =	sdelay $0x3  }
0x96: {  	_ =	strace s3  }
0x97: {  	_ =	strace $0x8FFFFFFF  }
0x98: {  	s19 =	sld [smem:$0x3FDB];
	_ =	sdelay $0x1  }
0x99: {  	s4 =	simm.s32 $_scs_section_size  }
0x9a: {  	s5 =	simm.s32 $_size__tile_overlayer_lowered;
	s6 =	simm.s32 $_tile_overlayer_lowered  }
0x9b: {  	s22 =	simm.s32 $0x1BFF;
	s21 =	sshll.u32 s6, $0x1;
	s3 =	sadd.s32 s4, s19  }
0x9c: {  	s7 =	simm.s32 $0x0;
	s20 =	sshll.u32 s5, $0x1;
	s5 =	sadd.s32 s21, s3  }
0x9d: {  	[timem:s7], [sflag:s22] =	dma.local [hbm:s5], s20  }
0x9e: {  	_ =	swait.ge [sflag:s22], s20  }
0x9f: {  	s4 =	ssub.s32 $0x0, s20;
	[sflag:s22] =	ssyncset.done $0x0  }
0xa0: {  	[sflag:s22] =	ssyncadd.s32 s4;
	_ =	sdelay $0x1  }
0xa1: {  	s23 =	simm.s32 $0x1B8B  }
0xa2: {  	_ =	swait.ge [sflag:s23], $0x1  }
0xa3: {  	[sflag:s23] =	ssyncset.done $0x0  }
0xa4: {  	s25 =	simm.s32 $0x1B8E;
	s24 =	sld [smem:$0x3FFE];
	[sflag:s23] =	ssyncadd.s32 $0xFFFFFFFF  }
0xa5: {  	s26 =	simm.s32 $execute0_lowered;
	[smem:$0x3FD2] =	sst s25  }
0xa6: {  	s5 =	sshll.u32 s26, $0x1;
	_ =	strace $0x80000046;
	[dreg:$0x1] =	wrdreg $0xFFFFFFFF  }
0xa7: {  	s28 =	simm.s32 $_size_execute0_lowered;
	s3 =	sadd.s32 s3, s5;
	[dreg:$0x0] =	wrdreg $0x0  }
0xa8: {  	s5 =	sshll.u32 s28, $0x1;
	[dreg:$0x2] =	wrdreg s3  }
0xa9: {  	[dreg:$0x3] =	wrdreg s5  }
0xaa: {  	[dreg:$0x4] =	wrdreg $0xC0  }
0xab: {  	_ =	task [dreg:s7], $0x5FFFF  }
0xac: {  	[dreg:$0x1] =	wrdreg $0xFFFFFFFF  }
0xad: {  	[dreg:$0x0] =	wrdreg $0x60  }
0xae: {  	[dreg:$0x2] =	wrdreg s24  }
0xaf: {  	[dreg:$0x3] =	wrdreg s2  }
0xb0: {  	[dreg:$0x4] =	wrdreg $0x54100  }
0xb1: {  	[dreg:$0x5] =	wrdreg $0x9  }
0xb2: {  	_ =	task.clear_ibuf [dreg:s7], $0x6FFFF;
	_ =	strace $0x90000046  }
0xb3: {  	s29 =	simm.s32 $0x9;
	_ =	strace $0x80000048  }
0xb4: {  	_ =	swait.ge [sflag:s29], $0x1  }
0xb5: {  	[sflag:s29] =	ssyncadd.s32 $0xFFFFFFFF  }
0xb6: {  	_ =	strace $0x90000048  }
0xb7: {  	_ =	sfence  }
0xb8: {  	s30 =	sld [smem:$0x0];
	_ =	sdelay $0x2  }
0xb9: {  	s31 =	sshll.u32 s1, $0xD;
	s1 =	sshrl.u32 s1, $0x2  }
0xba: {  	s3 =	sand.u32 $0x4000, s31;
	s1 =	sadd.s32 s1, s30  }
0xbb: {  	s0 =	sor.u32 s3, s0;
	s1 =	sshll.u32 s1, $0x11  }
0xbc: {  	s0 =	sor.u32 s1, s0  }
0xbd: {  	s0 =	sadd.s32 $0x8F2B, s0  }
0xbe: {  	[sflag:s0] =	ssyncadd.remote.s32 $0x1  }
0xbf: {  	_ =	sfence.sel $0xFFFF  }
0xc0: {  	[dreg:$0x0] =	wrdreg $0xFFFFFFFF;
	(pc) =	sbr.abs _section_cstart, $3  }
0xc1: {  	[dreg:$0x1] =	wrdreg $0xFFFFFFFF  }
0xc2: {  	_ =	task.clear_ibuf [dreg:s7], $0x2FFFF;
	_ =	strace $0x9FFFFFFF  }
0xc3: {  	(tm) =	ssettm $0x7FFFFFFF  }
tec
execute0_lowered:
.L_overlay_start_1:
0x0: {  	(tag) =	ssettag $0x1  }
0x1: {  	s4 =	rddreg [dreg:$0x0]  }
0x2: {  	s1 =	srdreg.scid;
	s6 =	rddreg [dreg:$0x1]  }
0x3: {  	s0 =	stileid.u32;
	s2 =	rddreg [dreg:$0x2]  }
0x4: {  	s3 =	simm.s32 $0x0;
	s11 =	simm.s32 $0x2710;
	s5 =	sand.u32 $0x1, s1  }
0x5: {  	s29 =	sshll.u32 s0, $0x1;
	s8 =	smul.u32 $0x2800, s0;
	s12 =	sshll.u32 s0, $0x6  }
0x6: {  	s1 =	sor.u32 s5, s29;
	s9 =	ssub.s32 $0x2, s5;
	s5 =	smul.u32 $0x28000, s5  }
0x7: {  	[smem:$0x7FF] =	sst s3;
	s12 =	sor.u32 $0x1C01, s12;
	s7 =	smul.u32 $0x4E2, s1  }
0x8: {  	s1 =	rddreg [dreg:$0x3];
	_ =	strace $0x80000047;
	s10 =	sshrl.u32 s9, $0x1  }
0x9: {  	s9 =	ssub.s32 s9, s10;
	s30 =	sadd.s32 s8, s5;
	s10 =	simm.s32 $0x50  }
0xa: {  	s7 =	sadd.s32 s7, s4;
	s4 =	sadd.s32 s8, s2;
	s31 =	sshrl.u32 s30, $0x3  }
0xb: {  	s8 =	simm.s32 $0x2C10;
	s5 =	sadd.s32 $0xB400, s7;
	s6 =	sadd.s32 s6, s31  }
0xc: {  	v0 =	vimm.f32 $0.0e+00;
	v1 =	vimm.f32 $1.000000000e+00;
	s7 =	smax.u32 s9, $0x1;
	s9 =	simm.s32 $0x1;
	s13 =	sshrl.u32 s4, $0x3  }
.LBB2_1:
0xd: {  	s14 =	simm.s32 $0x0  }
.LBB2_2:
0xe: {  	p0 =	sne.s32 s14, $0x9FC0  }
.Ltmp0:
0xf: {  	_ = 	snop;
	(pc) =	sbr.rel @p0 .LBB2_2-.Ltmp0, $3  }
0x10: {  	_ =	sdelay $0x1  }
0x11: {  	s15 =	sshra.s32 s14, $0x2  }
0x12: {  	s14 =	sadd.s32 $0x40, s14;
	[tilespmem:s15+$0x2C10] =	vst v0  }
0x13: {  	s14 =	simm.s32 $0x40;
	s15 =	simm.s32 $0x0  }
.LBB2_4:
0x14: {  	p0 =	sne.s32 s14, $0x13C0;
	[tilespmem:s15+$0x2710] =	vst v1;
	s15 =	smov.u32 s14;
	s14 =	sadd.s32 $0x40, s14  }
.Ltmp1:
0x15: {  	(pc) =	sbr.rel @p0 .LBB2_4-.Ltmp1, $2  }
0x16: {  	_ =	sdelay $0x2  }
0x17: {  	s15 =	sshra.s32 s15, $0x2  }
0x18: {  	[tilespmem:s15+$0x2710] =	vst v1  }
0x19: {  	[spmem:s4] =	stream.linear.scatter [tilespmem:s8], [sflag:$0x1], $0x2800, $0x38;
	[tilespmem:$0x7C10] =	vst v63  }
0x1a: {  	_ =	swait.ge [sflag:s9], $0x2800  }
0x1b: {  	[sflag:s9] =	ssyncset.done $0x0  }
0x1c: {  	s14 =	simm.s32 $0x0;
	[sflag:s9] =	ssyncadd.s32 $0xFFFFD800  }
0x1d: {  	[tilespmem:s14], [sflag:$0x1] =	stream.linear.gather [hbm4b:s5+s14], $0x2710, $0x38;
	[tilespmem:$0x7C10] =	vst v63  }
0x1e: {  	_ =	swait.ge [sflag:s9], $0x2710  }
0x1f: {  	[sflag:s9] =	ssyncset.done $0x0  }
0x20: {  	[sflag:s9] =	ssyncadd.s32 $0xFFFFD8F0  }
0x21: {  	s31 =	simm.s32 $0x0;
	[bflag:$0x0] =	sbarrier.arrive $0xFFFF  }
0x22: {  	[spmem:s2] =	stream.indirect.scatter.add.f32 [tilespmem:s11], [sflag:$0x1], $0x10, s31, s10, $0xb8;
	[tilespmem:$0x7C10] =	vst v63  }
0x23: {  	_ =	swait.ge [sflag:s9], $0x500  }
0x24: {  	s14 =	simm.s32 $0x140;
	[sflag:s9] =	ssyncset.done $0x0  }
.LBB2_6:
0x25: {  	s15 =	sshra.s32 s14, $0x2;
	[sflag:s9] =	ssyncadd.s32 $0xFFFFFB00;
	p0 =	sne.s32 s14, $0x9B00  }
0x26: {  	[spmem:s2] =	stream.indirect.scatter.add.f32 [tilespmem:s11], [sflag:$0x1], $0x10, s15, s10, $0xb8;
	[tilespmem:$0x7C10] =	vst v63  }
.Ltmp2:
0x27: {  	_ = 	snop;
	(pc) =	sbr.rel @p0 .LBB2_6-.Ltmp2, $4  }
0x28: {  	_ = 	snop  }
0x29: {  	s14 =	sadd.s32 $0x140, s14  }
0x2a: {  	_ =	swait.ge [sflag:s9], $0x500  }
0x2b: {  	[sflag:s9] =	ssyncset.done $0x0  }
0x2c: {  	s3 =	sadd.s32 $0x1, s3  }
0x2d: {  	[sflag:s9] =	ssyncadd.s32 $0xFFFFFB00;
	p0 =	sne.s32 s3, s7  }
.Ltmp3:
0x2e: {  	[bflag:$0x0] =	sbarrier.arrive $0xFFFF;
	(pc) =	sbr.rel @p0 .LBB2_1-.Ltmp3, $4  }
0x2f: {  	[hbm:s6], [sflag:s12] =	dma.local [spmem:s13], $0x500  }
0x30: {  	_ =	swait.ge [sflag:s9], $0x500  }
0x31: {  	[sflag:s9] =	ssyncset.done $0x0  }
0x32: {  	[sflag:s9] =	ssyncadd.s32 $0xFFFFFB00  }
0x33: {  	_ =	sfence.sel $0x180000  }
0x34: {  	[bflag:$0x0] =	sbarrier.arrive $0xFFFF  }
0x35: {  	p0 =	sne.s32 s0, $0x0;
	_ =	strace $0x90000047  }
0x36: {  	s0 =	sadd.s32 @!p0 $0x100000, s1;
	[bflag:$0x2] =	sbarrier.arrive $0xFFFF  }
0x37: {  	[sflag:s0] =	ssyncadd.tile.s32 @!p0 $0x1;
	_ =	shalt  }
.Lfunc_end2:
_tile_overlayer_lowered:
.L_overlay_start_2:
0x38: {  	(tag) =	ssettag $0x2  }
0x39: {  	s0 =	rddreg [dreg:$0x0];
	s2 =	stileid.u32  }
0x3a: {  	s1 =	rddreg [dreg:$0x1];
	p0 =	sne.s32 s2, $0x0  }
0x3b: {  	s3 =	rddreg [dreg:$0x2];
	[bflag:$0x3] =	sbarrier.arrive $0xFFFF;
	s2 =	simm.s32 @!p0 $0x1C01  }
0x3c: {  	[timem:s3], [sflag:s2] =	dma.local @!p0 [hbm:s0], s1  }
0x3d: {  	s0 =	simm.s32 @!p0 $0x1  }
0x3e: {  	_ =	swait.ge @!p0 [sflag:s0], s1  }
0x3f: {  	s1 =	ssub.s32 @!p0 $0x0, s1;
	[sflag:s0] =	ssyncset.done @!p0 $0x0  }
0x40: {  	[sflag:s0] =	ssyncadd.s32 @!p0 s1  }
0x41: {  	[bflag:$0x3] =	sbarrier.arrive $0xFFFF  }
0x42: {  	_ =	shalt  }

</sc_bundles>
